<compile_context>
chip_gen: v7x
topology: tpu7x:2x2x1
jax: 0.10.2.dev20260603
libtpu: 0.0.44.dev20260713+nightly
codegen_flags: <defaults>
</compile_context>

<pallas_src>
import functools

import jax
import jax.numpy as jnp
from jax import lax
from jax.experimental import pallas as pl
from jax.experimental.pallas import tpu as pltpu
from jax.experimental.pallas import tpu_sc as plsc

_N_SLICES = 2



def _make_sc_gather(n_rows, d, dtype):
    info = plsc.get_sparse_core_info()
    nw = info.num_cores * info.num_subcores
    assert n_rows % nw == 0
    b_per_w = n_rows // nw
    ch = b_per_w
    while ch * d * 4 > 456 * 1024 or b_per_w % ch:
        ch -= 1
    nchunk = b_per_w // ch
    nbuf = min(nchunk, 2)
    assert nbuf == 1 or ch * d * 4 * 2 <= 480 * 1024
    assert ch % 8 == 0 and b_per_w % 8 == 0

    mesh = plsc.VectorSubcoreMesh(core_axis_name="c", subcore_axis_name="s")

    scratch = ([pltpu.VMEM((b_per_w,), jnp.int32)]
               + [pltpu.VMEM((ch, d), dtype)] * nbuf
               + [pltpu.SemaphoreType.DMA] * (2 * nbuf))

    @functools.partial(
        pl.kernel,
        mesh=mesh,
        out_type=jax.ShapeDtypeStruct((n_rows, d), dtype),
        scratch_types=scratch,
    )
    def gather_k(table_hbm, idx_hbm, out_hbm, idx_v, *bufs_sems):
        bufs = bufs_sems[:nbuf]
        gsems = bufs_sems[nbuf:2 * nbuf]
        ssems = bufs_sems[2 * nbuf:]
        wid = lax.axis_index("s") * info.num_cores + lax.axis_index("c")
        base = wid * b_per_w
        pltpu.sync_copy(idx_hbm.at[pl.ds(base, b_per_w)], idx_v)
        gathers = [
            pltpu.async_copy(
                table_hbm.at[idx_v.at[pl.ds(0, ch)]], bufs[0], gsems[0])
        ]
        stores = []
        for c in range(nchunk):
            if c + 1 < nchunk:
                if c >= 1:
                    stores[c - 1].wait()
                gathers.append(pltpu.async_copy(
                    table_hbm.at[idx_v.at[pl.ds((c + 1) * ch, ch)]],
                    bufs[(c + 1) % nbuf], gsems[(c + 1) % nbuf]))
            gathers[c].wait()
            stores.append(pltpu.async_copy(
                bufs[c % nbuf], out_hbm.at[pl.ds(base + c * ch, ch)],
                ssems[c % nbuf]))
        for st in stores[-nbuf:]:
            st.wait()

    return gather_k



def _tc_body(is_first, is_last,
             g_ref, afe_ref, wca0_ref, wcb0_ref, wca1_ref, wcb1_ref,
             bc_ref, sel_ref, prev_ref, out_ref):
    i = pl.program_id(0)
    n = pl.num_programs(0)

    def half_contrib(x, afet, wca, wcb):
        embt = lax.dot_general(afet, x, (((1,), (1,)), ((), ())),
                               preferred_element_type=jnp.float32)
        dp = embt.shape[0] // 2
        sst = jnp.dot(sel_ref[...], embt * embt,
                      preferred_element_type=jnp.float32)
        rt = 1.0 / jnp.maximum(jnp.sqrt(sst), 1e-12)
        u0 = jnp.dot(wca, embt[:dp], preferred_element_type=jnp.float32)
        u1 = jnp.dot(wcb, embt[dp:], preferred_element_type=jnp.float32)
        return u0 * rt[0:1, :] + u1 * rt[1:2, :]

    if is_first:
        afe0 = jnp.where(i == 0, afe_ref[0], afe_ref[1])
    else:
        afe0 = afe_ref[1]
    contrib = (half_contrib(g_ref[0], afe0, wca0_ref[0], wcb0_ref[0])
               + half_contrib(g_ref[1], afe_ref[1], wca1_ref[0], wcb1_ref[0]))

    @pl.when(i == 0)
    def _():
        if is_first:
            out_ref[...] = contrib
        else:
            out_ref[...] = prev_ref[...] + contrib

    @pl.when(i > 0)
    def _():
        out_ref[...] = out_ref[...] + contrib

    if is_last:
        @pl.when(i == n - 1)
        def _():
            logits = out_ref[...] + bc_ref[...]
            m = jnp.max(logits, axis=0, keepdims=True)
            e = jnp.exp(logits - m)
            out_ref[...] = e / jnp.sum(e, axis=0, keepdims=True)


def _tc_slice(g, afet_all, wc3t, bct, selt, prev, offset, nh,
              is_first, is_last):
    n_win, b, d = g.shape
    assert n_win % 2 == 0
    dpp = afet_all.shape[1]
    nc = wc3t.shape[1]
    dp = wc3t.shape[2]
    o = offset
    if o == 0:
        wca0_ix = lambda i: (jnp.where(i == 0, 0, 1 + 2 * i), 0, 0)
        wcb0_ix = lambda i: (jnp.where(i == 0, 1, nh + 2 * i), 0, 0)
    else:
        wca0_ix = lambda i: (1 + o + 2 * i, 0, 0)
        wcb0_ix = lambda i: (nh + o + 2 * i, 0, 0)
    wca1_ix = lambda i: (2 + o + 2 * i, 0, 0)
    wcb1_ix = lambda i: (nh + 1 + o + 2 * i, 0, 0)
    return pl.pallas_call(
        functools.partial(_tc_body, is_first, is_last),
        grid=(n_win // 2,),
        in_specs=[
            pl.BlockSpec((2, b, d), lambda i: (i, 0, 0)),
            pl.BlockSpec((2, dpp, d), lambda i: (0, 0, 0)),
            pl.BlockSpec((1, nc, dp), wca0_ix),
            pl.BlockSpec((1, nc, dp), wcb0_ix),
            pl.BlockSpec((1, nc, dp), wca1_ix),
            pl.BlockSpec((1, nc, dp), wcb1_ix),
            pl.BlockSpec((nc, b), lambda i: (0, 0)),
            pl.BlockSpec((2, dpp), lambda i: (0, 0)),
            pl.BlockSpec((nc, b), lambda i: (0, 0)),
        ],
        out_specs=pl.BlockSpec((nc, b), lambda i: (0, 0)),
        out_shape=jax.ShapeDtypeStruct((nc, b), jnp.float32),
        compiler_params=pltpu.CompilerParams(
            dimension_semantics=("arbitrary",)),
    )(g, afet_all, wc3t, wc3t, wc3t, wc3t, bct, selt, prev)



def kernel(features, AFE_a, AFE_r, Wc, bc, c_ids, nei_ids):
    n_nodes, d = features.shape
    b = c_ids.shape[0]
    s = nei_ids.shape[1]
    n_afe_a = AFE_a.shape[0]
    n_afe_r = AFE_r.shape[0]
    dp = AFE_a.shape[2]
    nc = Wc.shape[1]
    n_steps = 1 + s

    idx_all = jnp.concatenate(
        [c_ids.astype(jnp.int32), nei_ids.T.reshape(-1).astype(jnp.int32)])

    afet_all = jnp.stack(
        [jnp.concatenate([AFE_a[k].T for k in range(n_afe_a)], axis=0),
         jnp.concatenate([AFE_r[k].T for k in range(n_afe_r)], axis=0)])

    wc3t = Wc.reshape(n_afe_a + n_afe_r * s, dp, nc).transpose(0, 2, 1)
    bct = jnp.broadcast_to(bc.reshape(nc, 1), (nc, b))
    selt = (jnp.arange(2)[:, None]
            == jnp.arange(n_afe_r * dp)[None, :] // dp).astype(jnp.float32)

    sz0 = n_steps // 2 + (n_steps // 2) % 2
    sizes = [sz0, n_steps - sz0]
    offsets = [0, sizes[0]]
    g_slices = [
        _make_sc_gather(szk * b, d, features.dtype)(
            features, idx_all[o * b:(o + szk) * b]).reshape(szk, b, d)
        for o, szk in zip(offsets, sizes)
    ]

    logits = jnp.zeros((nc, b), jnp.float32)
    for k in range(_N_SLICES):
        logits = _tc_slice(
            g_slices[k], afet_all, wc3t, bct, selt, logits,
            offset=offsets[k], nh=s + 1, is_first=(k == 0),
            is_last=(k == _N_SLICES - 1))

    return logits.T

# --- scband reference (transcript-rebuilt; emitter-appended) ---
"""Pipeline reference for scband-hcpn-35734127902889 (READ-ONLY COPY).

The authoritative reference and input builder live on the scoring server;
editing this copy changes nothing except your own understanding.
"""

import jax, jax.numpy as jnp
import numpy as np

DATA_DIM = 256
DIM_PROTO = 128
NUM_CLASS = 10
N_AFE_A = 2
N_AFE_R = 2
SUM_NBS = 25
N_NODES = 50000
BATCH = 1024
W_ATOM_R = 0.0


def setup_inputs(seed: int = 0) -> dict:
    key = jax.random.key(seed)
    ks = [jax.random.fold_in(key, i) for i in range(8)]
    features = jax.random.normal(ks[0], (N_NODES, DATA_DIM), dtype=jnp.float32)
    c_ids = jax.random.randint(ks[1], (BATCH,), 0, N_NODES, dtype=jnp.int64 if jax.config.jax_enable_x64 else jnp.int32).astype(jnp.int32)
    nei_ids = jax.random.randint(ks[2], (BATCH, SUM_NBS), 0, N_NODES).astype(jnp.int32)
    bound = np.sqrt(1.0 / DATA_DIM)
    AFE_a = jax.random.uniform(ks[3], (N_AFE_A, DATA_DIM, DIM_PROTO), minval=-bound, maxval=bound, dtype=jnp.float32)
    AFE_r = jax.random.uniform(ks[4], (N_AFE_R, DATA_DIM, DIM_PROTO), minval=-bound, maxval=bound, dtype=jnp.float32)
    feat_cat = DIM_PROTO * (N_AFE_A + N_AFE_R * SUM_NBS)
    Wc = jax.random.normal(ks[5], (feat_cat, NUM_CLASS), dtype=jnp.float32) * (1.0 / np.sqrt(feat_cat))
    bc = jnp.zeros((NUM_CLASS,), dtype=jnp.float32)
    return {"features": features, "AFE_a": AFE_a, "AFE_r": AFE_r, "Wc": Wc, "bc": bc, "c_ids": c_ids, "nei_ids": nei_ids}


def reference(features, AFE_a, AFE_r, Wc, bc, c_ids, nei_ids):
    B = c_ids.shape[0]
    # gather center and neighbor features (SparseCore gathers)
    c_feats = jnp.take(features, c_ids, axis=0)              # [B, D]
    nei_feats = jnp.take(features, nei_ids.reshape(-1), axis=0).reshape(B, SUM_NBS, DATA_DIM)
    # pair_feats = w_atom_r * c + (1 - w_atom_r) * nei
    pair_feats = W_ATOM_R * c_feats[:, None, :] + (1.0 - W_ATOM_R) * nei_feats  # [B, S, D]
    # attribute embeddings: one [B,1,dp] per selected attribute AFE
    emb_attr = jnp.einsum('bd,kdp->bkp', c_feats, AFE_a)      # [B, N_AFE_A, dp]
    # relation embeddings: one [B,S,dp] per selected relation AFE
    emb_rela = jnp.einsum('bsd,kdp->bksp', pair_feats, AFE_r) # [B, N_AFE_R, S, dp]
    emb_rela = emb_rela.reshape(B, N_AFE_R * SUM_NBS, DIM_PROTO)
    atom_embs = jnp.concatenate([emb_attr, emb_rela], axis=1) # [B, N_AFE_A + N_AFE_R*S, dp]
    # L2 normalize along last dim (F.normalize p=2)
    norm = jnp.linalg.norm(atom_embs, axis=-1, keepdims=True)
    atom_embs_n = atom_embs / jnp.maximum(norm, 1e-12)
    # classifier_simp_atom on flattened atom embeddings, then softmax
    flat = atom_embs_n.reshape(B, -1)
    logits = flat @ Wc + bc
    preds = jax.nn.softmax(logits, axis=1)
    return preds

if __name__ == "__main__":
    import jax
    _d = setup_inputs()
    print(jax.jit(kernel)(*tuple(_d.values())))

</pallas_src>

<mosaic_0001>
#map = affine_map<(d0, d1) -> (0, 0)>
#map1 = affine_map<(d0, d1) -> (0)>
module attributes {stable_mosaic.version = 14 : i64} {
  func.func @gather_k(%arg0: i32, %arg1: i32, %arg2: memref<50000x256xf32, #tpu.memory_space<hbm>>, %arg3: memref<12288xi32, #tpu.memory_space<hbm>>, %arg4: memref<12288x256xf32, #tpu.memory_space<hbm>>, %arg5: memref<384xi32, #tpu.memory_space<vmem>>, %arg6: memref<384x256xf32, #tpu.memory_space<vmem>>, %arg7: memref<!tpu.dma_semaphore, #tpu.memory_space<semaphore_mem>>, %arg8: memref<!tpu.dma_semaphore, #tpu.memory_space<semaphore_mem>>) attributes {dimension_semantics = [#tpu.dimension_semantics<core_parallel>, #tpu.dimension_semantics<subcore_parallel>], iteration_bounds = array<i64: 2, 16>, scalar_prefetch = 0 : i64, scratch_operands = 4 : i64, tpu.core_type = #tpu.core_type<sc_vector_subcore>, window_params = [{transform_indices = #map}, {transform_indices = #map1}, {transform_indices = #map}]} {
    %mul3A = arith.constant 2 : i32
    %mul3A_0 = arith.muli %arg1, %mul3A : i32
    %add3A = arith.addi %mul3A_0, %arg0 : i32
    %mul3A_1 = arith.constant 384 : i32
    %mul3A_2 = arith.muli %add3A, %mul3A_1 : i32
    "tpu.region"() ({
      %run_scoped3A = tpu.sem_alloc : memref<!tpu.dma_semaphore, #tpu.memory_space<semaphore_mem>>
      %dma_start3A_21 = tpu.memref_slice %arg3[%mul3A_2] : memref<12288xi32, #tpu.memory_space<hbm>> -> memref<384xi32, #tpu.memory_space<hbm>>
      %dma_start3A_22 = tpu.memref_slice %arg3[%mul3A_2] : memref<12288xi32, #tpu.memory_space<hbm>> -> memref<384xi32, #tpu.memory_space<hbm>>
      tpu.enqueue_dma source(%dma_start3A_22 : memref<384xi32, #tpu.memory_space<hbm>>) target(%arg5 : memref<384xi32, #tpu.memory_space<vmem>>) target_semaphore(%run_scoped3A : memref<!tpu.dma_semaphore, #tpu.memory_space<semaphore_mem>>)
      %dma_wait3A_23 = tpu.memref_slice %arg3[%mul3A_2] : memref<12288xi32, #tpu.memory_space<hbm>> -> memref<384xi32, #tpu.memory_space<hbm>>
      %dma_wait3A_24 = tpu.memref_slice %arg3[%mul3A_2] : memref<12288xi32, #tpu.memory_space<hbm>> -> memref<384xi32, #tpu.memory_space<hbm>>
      tpu.wait_dma2 semaphore(%run_scoped3A : memref<!tpu.dma_semaphore, #tpu.memory_space<semaphore_mem>>) src(%dma_wait3A_24 : memref<384xi32, #tpu.memory_space<hbm>>) dst(%arg5 : memref<384xi32, #tpu.memory_space<vmem>>)
      tpu.yield
    }) : () -> ()
    %dma_start3A = arith.constant 0 : i32
    %dma_start3A_3 = tpu.memref_slice %arg5[%dma_start3A] : memref<384xi32, #tpu.memory_space<vmem>> -> memref<384xi32, #tpu.memory_space<vmem>>
    %dma_start3A_4 = arith.constant 0 : i32
    %dma_start3A_5 = arith.constant 0 : i32
    %dma_start3A_6 = tpu.memref_slice %arg2[%dma_start3A_4, %dma_start3A_5] : memref<50000x256xf32, #tpu.memory_space<hbm>> -> memref<50000x256xf32, #tpu.memory_space<hbm>>
    tpu.enqueue_indirect_dma source(%dma_start3A_6 : memref<50000x256xf32, #tpu.memory_space<hbm>>) target(%arg6 : memref<384x256xf32, #tpu.memory_space<vmem>>) offsets(%dma_start3A_3 : memref<384xi32, #tpu.memory_space<vmem>>) semaphore(%arg7 : memref<!tpu.dma_semaphore, #tpu.memory_space<semaphore_mem>>)
    %dma_wait3A = arith.constant 0 : i32
    %dma_wait3A_7 = tpu.memref_slice %arg5[%dma_wait3A] : memref<384xi32, #tpu.memory_space<vmem>> -> memref<384xi32, #tpu.memory_space<vmem>>
    %dma_wait3A_8 = arith.constant 0 : i32
    %dma_wait3A_9 = arith.constant 0 : i32
    %dma_wait3A_10 = tpu.memref_slice %arg2[%dma_wait3A_8, %dma_wait3A_9] : memref<50000x256xf32, #tpu.memory_space<hbm>> -> memref<50000x256xf32, #tpu.memory_space<hbm>>
    tpu.wait_indirect_dma semaphore(%arg7 : memref<!tpu.dma_semaphore, #tpu.memory_space<semaphore_mem>>) src(%dma_wait3A_10 : memref<50000x256xf32, #tpu.memory_space<hbm>>) dst(%arg6 : memref<384x256xf32, #tpu.memory_space<vmem>>)
    %add3A_11 = arith.constant 0 : i32
    %add3A_12 = arith.addi %mul3A_2, %add3A_11 : i32
    %dma_start3A_13 = arith.constant 0 : i32
    %dma_start3A_14 = tpu.memref_slice %arg4[%add3A_12, %dma_start3A_13] : memref<12288x256xf32, #tpu.memory_space<hbm>> -> memref<384x256xf32, #tpu.memory_space<hbm>>
    %dma_start3A_15 = arith.constant 0 : i32
    %dma_start3A_16 = tpu.memref_slice %arg4[%add3A_12, %dma_start3A_15] : memref<12288x256xf32, #tpu.memory_space<hbm>> -> memref<384x256xf32, #tpu.memory_space<hbm>>
    tpu.enqueue_dma source(%arg6 : memref<384x256xf32, #tpu.memory_space<vmem>>) target(%dma_start3A_16 : memref<384x256xf32, #tpu.memory_space<hbm>>) target_semaphore(%arg8 : memref<!tpu.dma_semaphore, #tpu.memory_space<semaphore_mem>>)
    %dma_wait3A_17 = arith.constant 0 : i32
    %dma_wait3A_18 = tpu.memref_slice %arg4[%add3A_12, %dma_wait3A_17] : memref<12288x256xf32, #tpu.memory_space<hbm>> -> memref<384x256xf32, #tpu.memory_space<hbm>>
    %dma_wait3A_19 = arith.constant 0 : i32
    %dma_wait3A_20 = tpu.memref_slice %arg4[%add3A_12, %dma_wait3A_19] : memref<12288x256xf32, #tpu.memory_space<hbm>> -> memref<384x256xf32, #tpu.memory_space<hbm>>
    tpu.wait_dma2 semaphore(%arg8 : memref<!tpu.dma_semaphore, #tpu.memory_space<semaphore_mem>>) src(%arg6 : memref<384x256xf32, #tpu.memory_space<vmem>>) dst(%dma_wait3A_20 : memref<384x256xf32, #tpu.memory_space<hbm>>)
    return
  }
}

#map = affine_map<(d0, d1) -> (0, 0)>
#map1 = affine_map<(d0, d1) -> (0)>
module attributes {stable_mosaic.version = 14 : i64} {
  func.func @gather_k(%arg0: i32, %arg1: i32, %arg2: memref<50000x256xf32, #tpu.memory_space<hbm>>, %arg3: memref<14336xi32, #tpu.memory_space<hbm>>, %arg4: memref<14336x256xf32, #tpu.memory_space<hbm>>, %arg5: memref<448xi32, #tpu.memory_space<vmem>>, %arg6: memref<448x256xf32, #tpu.memory_space<vmem>>, %arg7: memref<!tpu.dma_semaphore, #tpu.memory_space<semaphore_mem>>, %arg8: memref<!tpu.dma_semaphore, #tpu.memory_space<semaphore_mem>>) attributes {dimension_semantics = [#tpu.dimension_semantics<core_parallel>, #tpu.dimension_semantics<subcore_parallel>], iteration_bounds = array<i64: 2, 16>, scalar_prefetch = 0 : i64, scratch_operands = 4 : i64, tpu.core_type = #tpu.core_type<sc_vector_subcore>, window_params = [{transform_indices = #map}, {transform_indices = #map1}, {transform_indices = #map}]} {
    %mul3A = arith.constant 2 : i32
    %mul3A_0 = arith.muli %arg1, %mul3A : i32
    %add3A = arith.addi %mul3A_0, %arg0 : i32
    %mul3A_1 = arith.constant 448 : i32
    %mul3A_2 = arith.muli %add3A, %mul3A_1 : i32
    "tpu.region"() ({
      %run_scoped3A = tpu.sem_alloc : memref<!tpu.dma_semaphore, #tpu.memory_space<semaphore_mem>>
      %dma_start3A_21 = tpu.memref_slice %arg3[%mul3A_2] : memref<14336xi32, #tpu.memory_space<hbm>> -> memref<448xi32, #tpu.memory_space<hbm>>
      %dma_start3A_22 = tpu.memref_slice %arg3[%mul3A_2] : memref<14336xi32, #tpu.memory_space<hbm>> -> memref<448xi32, #tpu.memory_space<hbm>>
      tpu.enqueue_dma source(%dma_start3A_22 : memref<448xi32, #tpu.memory_space<hbm>>) target(%arg5 : memref<448xi32, #tpu.memory_space<vmem>>) target_semaphore(%run_scoped3A : memref<!tpu.dma_semaphore, #tpu.memory_space<semaphore_mem>>)
      %dma_wait3A_23 = tpu.memref_slice %arg3[%mul3A_2] : memref<14336xi32, #tpu.memory_space<hbm>> -> memref<448xi32, #tpu.memory_space<hbm>>
      %dma_wait3A_24 = tpu.memref_slice %arg3[%mul3A_2] : memref<14336xi32, #tpu.memory_space<hbm>> -> memref<448xi32, #tpu.memory_space<hbm>>
      tpu.wait_dma2 semaphore(%run_scoped3A : memref<!tpu.dma_semaphore, #tpu.memory_space<semaphore_mem>>) src(%dma_wait3A_24 : memref<448xi32, #tpu.memory_space<hbm>>) dst(%arg5 : memref<448xi32, #tpu.memory_space<vmem>>)
      tpu.yield
    }) : () -> ()
    %dma_start3A = arith.constant 0 : i32
    %dma_start3A_3 = tpu.memref_slice %arg5[%dma_start3A] : memref<448xi32, #tpu.memory_space<vmem>> -> memref<448xi32, #tpu.memory_space<vmem>>
    %dma_start3A_4 = arith.constant 0 : i32
    %dma_start3A_5 = arith.constant 0 : i32
    %dma_start3A_6 = tpu.memref_slice %arg2[%dma_start3A_4, %dma_start3A_5] : memref<50000x256xf32, #tpu.memory_space<hbm>> -> memref<50000x256xf32, #tpu.memory_space<hbm>>
    tpu.enqueue_indirect_dma source(%dma_start3A_6 : memref<50000x256xf32, #tpu.memory_space<hbm>>) target(%arg6 : memref<448x256xf32, #tpu.memory_space<vmem>>) offsets(%dma_start3A_3 : memref<448xi32, #tpu.memory_space<vmem>>) semaphore(%arg7 : memref<!tpu.dma_semaphore, #tpu.memory_space<semaphore_mem>>)
    %dma_wait3A = arith.constant 0 : i32
    %dma_wait3A_7 = tpu.memref_slice %arg5[%dma_wait3A] : memref<448xi32, #tpu.memory_space<vmem>> -> memref<448xi32, #tpu.memory_space<vmem>>
    %dma_wait3A_8 = arith.constant 0 : i32
    %dma_wait3A_9 = arith.constant 0 : i32
    %dma_wait3A_10 = tpu.memref_slice %arg2[%dma_wait3A_8, %dma_wait3A_9] : memref<50000x256xf32, #tpu.memory_space<hbm>> -> memref<50000x256xf32, #tpu.memory_space<hbm>>
    tpu.wait_indirect_dma semaphore(%arg7 : memref<!tpu.dma_semaphore, #tpu.memory_space<semaphore_mem>>) src(%dma_wait3A_10 : memref<50000x256xf32, #tpu.memory_space<hbm>>) dst(%arg6 : memref<448x256xf32, #tpu.memory_space<vmem>>)
    %add3A_11 = arith.constant 0 : i32
    %add3A_12 = arith.addi %mul3A_2, %add3A_11 : i32
    %dma_start3A_13 = arith.constant 0 : i32
    %dma_start3A_14 = tpu.memref_slice %arg4[%add3A_12, %dma_start3A_13] : memref<14336x256xf32, #tpu.memory_space<hbm>> -> memref<448x256xf32, #tpu.memory_space<hbm>>
    %dma_start3A_15 = arith.constant 0 : i32
    %dma_start3A_16 = tpu.memref_slice %arg4[%add3A_12, %dma_start3A_15] : memref<14336x256xf32, #tpu.memory_space<hbm>> -> memref<448x256xf32, #tpu.memory_space<hbm>>
    tpu.enqueue_dma source(%arg6 : memref<448x256xf32, #tpu.memory_space<vmem>>) target(%dma_start3A_16 : memref<448x256xf32, #tpu.memory_space<hbm>>) target_semaphore(%arg8 : memref<!tpu.dma_semaphore, #tpu.memory_space<semaphore_mem>>)
    %dma_wait3A_17 = arith.constant 0 : i32
    %dma_wait3A_18 = tpu.memref_slice %arg4[%add3A_12, %dma_wait3A_17] : memref<14336x256xf32, #tpu.memory_space<hbm>> -> memref<448x256xf32, #tpu.memory_space<hbm>>
    %dma_wait3A_19 = arith.constant 0 : i32
    %dma_wait3A_20 = tpu.memref_slice %arg4[%add3A_12, %dma_wait3A_19] : memref<14336x256xf32, #tpu.memory_space<hbm>> -> memref<448x256xf32, #tpu.memory_space<hbm>>
    tpu.wait_dma2 semaphore(%arg8 : memref<!tpu.dma_semaphore, #tpu.memory_space<semaphore_mem>>) src(%arg6 : memref<448x256xf32, #tpu.memory_space<vmem>>) dst(%dma_wait3A_20 : memref<448x256xf32, #tpu.memory_space<hbm>>)
    return
  }
}

module attributes {stable_mosaic.version = 14 : i64} {
  func.func @_tc_body(%arg0: i32, %arg1: memref<2x1024x256xf32, #tpu.memory_space<vmem>>, %arg2: memref<2x256x256xf32, #tpu.memory_space<vmem>>, %arg3: memref<1x10x128xf32, #tpu.memory_space<vmem>>, %arg4: memref<1x10x128xf32, #tpu.memory_space<vmem>>, %arg5: memref<1x10x128xf32, #tpu.memory_space<vmem>>, %arg6: memref<1x10x128xf32, #tpu.memory_space<vmem>>, %arg7: memref<10x1024xf32, #tpu.memory_space<vmem>>, %arg8: memref<2x256xf32, #tpu.memory_space<vmem>>, %arg9: memref<10x1024xf32, #tpu.memory_space<vmem>>, %arg10: memref<10x1024xf32, #tpu.memory_space<vmem>>) attributes {dimension_semantics = [#tpu.dimension_semantics<arbitrary>], iteration_bounds = array<i64: 7>, scalar_prefetch = 0 : i64, scratch_operands = 0 : i64, tpu.core_type = #tpu.core_type<tc>, window_params = [{transform_indices = @transform_0, window_bounds = array<i64: 2, 1024, 256>}, {pipeline_mode = #tpu.pipeline_mode<synchronous>, transform_indices = @transform_1, window_bounds = array<i64: 2, 256, 256>}, {transform_indices = @transform_2, window_bounds = array<i64: 1, 10, 128>}, {transform_indices = @transform_3, window_bounds = array<i64: 1, 10, 128>}, {transform_indices = @transform_4, window_bounds = array<i64: 1, 10, 128>}, {transform_indices = @transform_5, window_bounds = array<i64: 1, 10, 128>}, {pipeline_mode = #tpu.pipeline_mode<synchronous>, transform_indices = @transform_6, window_bounds = array<i64: 10, 1024>}, {pipeline_mode = #tpu.pipeline_mode<synchronous>, transform_indices = @transform_7, window_bounds = array<i64: 2, 256>}, {pipeline_mode = #tpu.pipeline_mode<synchronous>, transform_indices = @transform_8, window_bounds = array<i64: 10, 1024>}, {pipeline_mode = #tpu.pipeline_mode<synchronous>, transform_indices = @transform_9, window_bounds = array<i64: 10, 1024>}]} {
    %eq3A = arith.constant 0 : i32
    %eq3A_0 = arith.cmpi eq, %arg0, %eq3A : i32
    %get3A = arith.constant 0 : index
    %get3A_1 = arith.constant 0 : index
    %get3A_2 = arith.constant 0 : index
    %get3A_3 = vector.load %arg2[%get3A, %get3A_1, %get3A_2] : memref<2x256x256xf32, #tpu.memory_space<vmem>>, vector<1x256x256xf32>
    %get3A_4 = vector.shape_cast %get3A_3 : vector<1x256x256xf32> to vector<256x256xf32>
    %get3A_5 = arith.constant 1 : index
    %get3A_6 = arith.constant 0 : index
    %get3A_7 = arith.constant 0 : index
    %get3A_8 = vector.load %arg2[%get3A_5, %get3A_6, %get3A_7] : memref<2x256x256xf32, #tpu.memory_space<vmem>>, vector<1x256x256xf32>
    %get3A_9 = vector.shape_cast %get3A_8 : vector<1x256x256xf32> to vector<256x256xf32>
    %select_n3A = arith.select %eq3A_0, %get3A_4, %get3A_9 : vector<256x256xf32>
    %get3A_10 = arith.constant 0 : index
    %get3A_11 = arith.constant 0 : index
    %get3A_12 = arith.constant 0 : index
    %get3A_13 = vector.load %arg1[%get3A_10, %get3A_11, %get3A_12] : memref<2x1024x256xf32, #tpu.memory_space<vmem>>, vector<1x1024x256xf32>
    %get3A_14 = vector.shape_cast %get3A_13 : vector<1x1024x256xf32> to vector<1024x256xf32>
    %get3A_15 = arith.constant 0 : index
    %get3A_16 = arith.constant 0 : index
    %get3A_17 = arith.constant 0 : index
    %get3A_18 = vector.load %arg3[%get3A_15, %get3A_16, %get3A_17] : memref<1x10x128xf32, #tpu.memory_space<vmem>>, vector<1x10x128xf32>
    %get3A_19 = vector.shape_cast %get3A_18 : vector<1x10x128xf32> to vector<10x128xf32>
    %get3A_20 = arith.constant 0 : index
    %get3A_21 = arith.constant 0 : index
    %get3A_22 = arith.constant 0 : index
    %get3A_23 = vector.load %arg4[%get3A_20, %get3A_21, %get3A_22] : memref<1x10x128xf32, #tpu.memory_space<vmem>>, vector<1x10x128xf32>
    %get3A_24 = vector.shape_cast %get3A_23 : vector<1x10x128xf32> to vector<10x128xf32>
    %dot_general3A = arith.constant dense<0.000000e+00> : vector<256x1024xf32>
    %dot_general3A_25 = tpu.matmul %select_n3A, %get3A_14, %dot_general3A {dimension_numbers = #tpu.dot_dimension_numbers<[1], [1], [0], [0], [0, 0, 1, 0], [], []>, transpose_lhs_hint = false} : vector<256x256xf32>, vector<1024x256xf32>, vector<256x1024xf32> -> vector<256x1024xf32>
    %get3A_26 = arith.constant 0 : index
    %get3A_27 = arith.constant 0 : index
    %get3A_28 = vector.load %arg8[%get3A_26, %get3A_27] : memref<2x256xf32, #tpu.memory_space<vmem>>, vector<2x256xf32>
    %mul3A = arith.mulf %dot_general3A_25, %dot_general3A_25 : vector<256x1024xf32>
    %dot_general3A_29 = arith.constant dense<0.000000e+00> : vector<2x1024xf32>
    %dot_general3A_30 = tpu.matmul %get3A_28, %mul3A, %dot_general3A_29 {dimension_numbers = #tpu.dot_dimension_numbers<[1], [0], [0], [1], [0, 0, 1, 1], [], []>, transpose_lhs_hint = false} : vector<2x256xf32>, vector<256x1024xf32>, vector<2x1024xf32> -> vector<2x1024xf32>
    %sqrt3A = math.sqrt %dot_general3A_30 : vector<2x1024xf32>
    %max3A = arith.constant 9.99999996E-13 : f32
    %max3A_31 = vector.broadcast %max3A : f32 to vector<2x1024xf32>
    %max3A_32 = arith.maximumf %sqrt3A, %max3A_31 : vector<2x1024xf32>
    %div3A = arith.constant 1.000000e+00 : f32
    %div3A_33 = vector.broadcast %div3A : f32 to vector<2x1024xf32>
    %div3A_34 = arith.divf %div3A_33, %max3A_32 : vector<2x1024xf32>
    %slice3A = vector.extract_strided_slice %dot_general3A_25 {offsets = [0, 0], sizes = [128, 1024], strides = [1, 1]} : vector<256x1024xf32> to vector<128x1024xf32>
    %dot_general3A_35 = arith.constant dense<0.000000e+00> : vector<10x1024xf32>
    %dot_general3A_36 = tpu.matmul %get3A_19, %slice3A, %dot_general3A_35 {dimension_numbers = #tpu.dot_dimension_numbers<[1], [0], [0], [1], [0, 0, 1, 1], [], []>, transpose_lhs_hint = false} : vector<10x128xf32>, vector<128x1024xf32>, vector<10x1024xf32> -> vector<10x1024xf32>
    %slice3A_37 = vector.extract_strided_slice %dot_general3A_25 {offsets = [128, 0], sizes = [128, 1024], strides = [1, 1]} : vector<256x1024xf32> to vector<128x1024xf32>
    %dot_general3A_38 = arith.constant dense<0.000000e+00> : vector<10x1024xf32>
    %dot_general3A_39 = tpu.matmul %get3A_24, %slice3A_37, %dot_general3A_38 {dimension_numbers = #tpu.dot_dimension_numbers<[1], [0], [0], [1], [0, 0, 1, 1], [], []>, transpose_lhs_hint = false} : vector<10x128xf32>, vector<128x1024xf32>, vector<10x1024xf32> -> vector<10x1024xf32>
    %slice3A_40 = vector.extract_strided_slice %div3A_34 {offsets = [0, 0], sizes = [1, 1024], strides = [1, 1]} : vector<2x1024xf32> to vector<1x1024xf32>
    %mul3A_41 = vector.broadcast %slice3A_40 : vector<1x1024xf32> to vector<10x1024xf32>
    %mul3A_42 = arith.mulf %dot_general3A_36, %mul3A_41 : vector<10x1024xf32>
    %slice3A_43 = vector.extract_strided_slice %div3A_34 {offsets = [1, 0], sizes = [1, 1024], strides = [1, 1]} : vector<2x1024xf32> to vector<1x1024xf32>
    %mul3A_44 = vector.broadcast %slice3A_43 : vector<1x1024xf32> to vector<10x1024xf32>
    %mul3A_45 = arith.mulf %dot_general3A_39, %mul3A_44 : vector<10x1024xf32>
    %add3A = arith.addf %mul3A_42, %mul3A_45 : vector<10x1024xf32>
    %get3A_46 = arith.constant 1 : index
    %get3A_47 = arith.constant 0 : index
    %get3A_48 = arith.constant 0 : index
    %get3A_49 = vector.load %arg1[%get3A_46, %get3A_47, %get3A_48] : memref<2x1024x256xf32, #tpu.memory_space<vmem>>, vector<1x1024x256xf32>
    %get3A_50 = vector.shape_cast %get3A_49 : vector<1x1024x256xf32> to vector<1024x256xf32>
    %get3A_51 = arith.constant 1 : index
    %get3A_52 = arith.constant 0 : index
    %get3A_53 = arith.constant 0 : index
    %get3A_54 = vector.load %arg2[%get3A_51, %get3A_52, %get3A_53] : memref<2x256x256xf32, #tpu.memory_space<vmem>>, vector<1x256x256xf32>
    %get3A_55 = vector.shape_cast %get3A_54 : vector<1x256x256xf32> to vector<256x256xf32>
    %get3A_56 = arith.constant 0 : index
    %get3A_57 = arith.constant 0 : index
    %get3A_58 = arith.constant 0 : index
    %get3A_59 = vector.load %arg5[%get3A_56, %get3A_57, %get3A_58] : memref<1x10x128xf32, #tpu.memory_space<vmem>>, vector<1x10x128xf32>
    %get3A_60 = vector.shape_cast %get3A_59 : vector<1x10x128xf32> to vector<10x128xf32>
    %get3A_61 = arith.constant 0 : index
    %get3A_62 = arith.constant 0 : index
    %get3A_63 = arith.constant 0 : index
    %get3A_64 = vector.load %arg6[%get3A_61, %get3A_62, %get3A_63] : memref<1x10x128xf32, #tpu.memory_space<vmem>>, vector<1x10x128xf32>
    %get3A_65 = vector.shape_cast %get3A_64 : vector<1x10x128xf32> to vector<10x128xf32>
    %dot_general3A_66 = arith.constant dense<0.000000e+00> : vector<256x1024xf32>
    %dot_general3A_67 = tpu.matmul %get3A_55, %get3A_50, %dot_general3A_66 {dimension_numbers = #tpu.dot_dimension_numbers<[1], [1], [0], [0], [0, 0, 1, 0], [], []>, transpose_lhs_hint = false} : vector<256x256xf32>, vector<1024x256xf32>, vector<256x1024xf32> -> vector<256x1024xf32>
    %get3A_68 = arith.constant 0 : index
    %get3A_69 = arith.constant 0 : index
    %get3A_70 = vector.load %arg8[%get3A_68, %get3A_69] : memref<2x256xf32, #tpu.memory_space<vmem>>, vector<2x256xf32>
    %mul3A_71 = arith.mulf %dot_general3A_67, %dot_general3A_67 : vector<256x1024xf32>
    %dot_general3A_72 = arith.constant dense<0.000000e+00> : vector<2x1024xf32>
    %dot_general3A_73 = tpu.matmul %get3A_70, %mul3A_71, %dot_general3A_72 {dimension_numbers = #tpu.dot_dimension_numbers<[1], [0], [0], [1], [0, 0, 1, 1], [], []>, transpose_lhs_hint = false} : vector<2x256xf32>, vector<256x1024xf32>, vector<2x1024xf32> -> vector<2x1024xf32>
    %sqrt3A_74 = math.sqrt %dot_general3A_73 : vector<2x1024xf32>
    %max3A_75 = arith.constant 9.99999996E-13 : f32
    %max3A_76 = vector.broadcast %max3A_75 : f32 to vector<2x1024xf32>
    %max3A_77 = arith.maximumf %sqrt3A_74, %max3A_76 : vector<2x1024xf32>
    %div3A_78 = arith.constant 1.000000e+00 : f32
    %div3A_79 = vector.broadcast %div3A_78 : f32 to vector<2x1024xf32>
    %div3A_80 = arith.divf %div3A_79, %max3A_77 : vector<2x1024xf32>
    %slice3A_81 = vector.extract_strided_slice %dot_general3A_67 {offsets = [0, 0], sizes = [128, 1024], strides = [1, 1]} : vector<256x1024xf32> to vector<128x1024xf32>
    %dot_general3A_82 = arith.constant dense<0.000000e+00> : vector<10x1024xf32>
    %dot_general3A_83 = tpu.matmul %get3A_60, %slice3A_81, %dot_general3A_82 {dimension_numbers = #tpu.dot_dimension_numbers<[1], [0], [0], [1], [0, 0, 1, 1], [], []>, transpose_lhs_hint = false} : vector<10x128xf32>, vector<128x1024xf32>, vector<10x1024xf32> -> vector<10x1024xf32>
    %slice3A_84 = vector.extract_strided_slice %dot_general3A_67 {offsets = [128, 0], sizes = [128, 1024], strides = [1, 1]} : vector<256x1024xf32> to vector<128x1024xf32>
    %dot_general3A_85 = arith.constant dense<0.000000e+00> : vector<10x1024xf32>
    %dot_general3A_86 = tpu.matmul %get3A_65, %slice3A_84, %dot_general3A_85 {dimension_numbers = #tpu.dot_dimension_numbers<[1], [0], [0], [1], [0, 0, 1, 1], [], []>, transpose_lhs_hint = false} : vector<10x128xf32>, vector<128x1024xf32>, vector<10x1024xf32> -> vector<10x1024xf32>
    %slice3A_87 = vector.extract_strided_slice %div3A_80 {offsets = [0, 0], sizes = [1, 1024], strides = [1, 1]} : vector<2x1024xf32> to vector<1x1024xf32>
    %mul3A_88 = vector.broadcast %slice3A_87 : vector<1x1024xf32> to vector<10x1024xf32>
    %mul3A_89 = arith.mulf %dot_general3A_83, %mul3A_88 : vector<10x1024xf32>
    %slice3A_90 = vector.extract_strided_slice %div3A_80 {offsets = [1, 0], sizes = [1, 1024], strides = [1, 1]} : vector<2x1024xf32> to vector<1x1024xf32>
    %mul3A_91 = vector.broadcast %slice3A_90 : vector<1x1024xf32> to vector<10x1024xf32>
    %mul3A_92 = arith.mulf %dot_general3A_86, %mul3A_91 : vector<10x1024xf32>
    %add3A_93 = arith.addf %mul3A_89, %mul3A_92 : vector<10x1024xf32>
    %add3A_94 = arith.addf %add3A, %add3A_93 : vector<10x1024xf32>
    %eq3A_95 = arith.constant 0 : i32
    %eq3A_96 = arith.cmpi eq, %arg0, %eq3A_95 : i32
    %convert_element_type3A = arith.extui %eq3A_96 : i1 to i32
    %cond3A = arith.constant 0 : i32
    %cond3A_97 = arith.cmpi ne, %convert_element_type3A, %cond3A : i32
    scf.if %cond3A_97 {
      %swap3A = arith.constant 0 : index
      %swap3A_102 = arith.constant 0 : index
      %swap3A_103 = vector.load %arg10[%swap3A, %swap3A_102] : memref<10x1024xf32, #tpu.memory_space<vmem>>, vector<10x1024xf32>
      tpu.vector_store %arg10[%swap3A, %swap3A_102], %add3A_94 {strides = array<i32>} : memref<10x1024xf32, #tpu.memory_space<vmem>>, vector<10x1024xf32>,
    } else {
    }
    %gt3A = arith.constant 0 : i32
    %gt3A_98 = arith.cmpi sgt, %arg0, %gt3A : i32
    %convert_element_type3A_99 = arith.extui %gt3A_98 : i1 to i32
    %cond3A_100 = arith.constant 0 : i32
    %cond3A_101 = arith.cmpi ne, %convert_element_type3A_99, %cond3A_100 : i32
    scf.if %cond3A_101 {
      %get3A_102 = arith.constant 0 : index
      %get3A_103 = arith.constant 0 : index
      %get3A_104 = vector.load %arg10[%get3A_102, %get3A_103] : memref<10x1024xf32, #tpu.memory_space<vmem>>, vector<10x1024xf32>
      %add3A_105 = arith.addf %get3A_104, %add3A_94 : vector<10x1024xf32>
      %swap3A = arith.constant 0 : index
      %swap3A_106 = arith.constant 0 : index
      %swap3A_107 = vector.load %arg10[%swap3A, %swap3A_106] : memref<10x1024xf32, #tpu.memory_space<vmem>>, vector<10x1024xf32>
      tpu.vector_store %arg10[%swap3A, %swap3A_106], %add3A_105 {strides = array<i32>} : memref<10x1024xf32, #tpu.memory_space<vmem>>, vector<10x1024xf32>,
    } else {
    }
    return
  }
  func.func @transform_0(%arg0: i32) -> (i32, i32, i32) {
    %c0_i32 = arith.constant 0 : i32
    %c0_i32_0 = arith.constant 0 : i32
    %c0_i32_1 = arith.constant 0 : i32
    return %arg0, %c0_i32, %c0_i32_0 : i32, i32, i32
  }
  func.func @transform_1(%arg0: i32) -> (i32, i32, i32) {
    %c0_i32 = arith.constant 0 : i32
    %c0_i32_0 = arith.constant 0 : i32
    %c0_i32_1 = arith.constant 0 : i32
    %c0_i32_2 = arith.constant 0 : i32
    return %c0_i32, %c0_i32_0, %c0_i32_1 : i32, i32, i32
  }
  func.func @transform_2(%arg0: i32) -> (i32, i32, i32) {
    %eq3A = arith.constant 0 : i32
    %eq3A_0 = arith.cmpi eq, %arg0, %eq3A : i32
    %mul3A = arith.constant 2 : i32
    %mul3A_1 = arith.muli %mul3A, %arg0 : i32
    %add3A = arith.constant 1 : i32
    %add3A_2 = arith.addi %add3A, %mul3A_1 : i32
    %jit3A = arith.constant 0 : i32
    %select_n3A = arith.select %eq3A_0, %jit3A, %add3A_2 : i32
    %c0_i32 = arith.constant 0 : i32
    %c0_i32_3 = arith.constant 0 : i32
    %c0_i32_4 = arith.constant 0 : i32
    return %select_n3A, %c0_i32, %c0_i32_3 : i32, i32, i32
  }
  func.func @transform_3(%arg0: i32) -> (i32, i32, i32) {
    %eq3A = arith.constant 0 : i32
    %eq3A_0 = arith.cmpi eq, %arg0, %eq3A : i32
    %mul3A = arith.constant 2 : i32
    %mul3A_1 = arith.muli %mul3A, %arg0 : i32
    %add3A = arith.constant 26 : i32
    %add3A_2 = arith.addi %add3A, %mul3A_1 : i32
    %jit3A = arith.constant 1 : i32
    %select_n3A = arith.select %eq3A_0, %jit3A, %add3A_2 : i32
    %c0_i32 = arith.constant 0 : i32
    %c0_i32_3 = arith.constant 0 : i32
    %c0_i32_4 = arith.constant 0 : i32
    return %select_n3A, %c0_i32, %c0_i32_3 : i32, i32, i32
  }
  func.func @transform_4(%arg0: i32) -> (i32, i32, i32) {
    %mul3A = arith.constant 2 : i32
    %mul3A_0 = arith.muli %mul3A, %arg0 : i32
    %add3A = arith.constant 2 : i32
    %add3A_1 = arith.addi %add3A, %mul3A_0 : i32
    %c0_i32 = arith.constant 0 : i32
    %c0_i32_2 = arith.constant 0 : i32
    %c0_i32_3 = arith.constant 0 : i32
    return %add3A_1, %c0_i32, %c0_i32_2 : i32, i32, i32
  }
  func.func @transform_5(%arg0: i32) -> (i32, i32, i32) {
    %mul3A = arith.constant 2 : i32
    %mul3A_0 = arith.muli %mul3A, %arg0 : i32
    %add3A = arith.constant 27 : i32
    %add3A_1 = arith.addi %add3A, %mul3A_0 : i32
    %c0_i32 = arith.constant 0 : i32
    %c0_i32_2 = arith.constant 0 : i32
    %c0_i32_3 = arith.constant 0 : i32
    return %add3A_1, %c0_i32, %c0_i32_2 : i32, i32, i32
  }
  func.func @transform_6(%arg0: i32) -> (i32, i32) {
    %c0_i32 = arith.constant 0 : i32
    %c0_i32_0 = arith.constant 0 : i32
    %c0_i32_1 = arith.constant 0 : i32
    return %c0_i32, %c0_i32_0 : i32, i32
  }
  func.func @transform_7(%arg0: i32) -> (i32, i32) {
    %c0_i32 = arith.constant 0 : i32
    %c0_i32_0 = arith.constant 0 : i32
    %c0_i32_1 = arith.constant 0 : i32
    return %c0_i32, %c0_i32_0 : i32, i32
  }
  func.func @transform_8(%arg0: i32) -> (i32, i32) {
    %c0_i32 = arith.constant 0 : i32
    %c0_i32_0 = arith.constant 0 : i32
    %c0_i32_1 = arith.constant 0 : i32
    return %c0_i32, %c0_i32_0 : i32, i32
  }
  func.func @transform_9(%arg0: i32) -> (i32, i32) {
    %c0_i32 = arith.constant 0 : i32
    %c0_i32_0 = arith.constant 0 : i32
    %c0_i32_1 = arith.constant 0 : i32
    return %c0_i32, %c0_i32_0 : i32, i32
  }
}

module attributes {stable_mosaic.version = 14 : i64} {
  func.func @_tc_body(%arg0: i32, %arg1: memref<2x1024x256xf32, #tpu.memory_space<vmem>>, %arg2: memref<2x256x256xf32, #tpu.memory_space<vmem>>, %arg3: memref<1x10x128xf32, #tpu.memory_space<vmem>>, %arg4: memref<1x10x128xf32, #tpu.memory_space<vmem>>, %arg5: memref<1x10x128xf32, #tpu.memory_space<vmem>>, %arg6: memref<1x10x128xf32, #tpu.memory_space<vmem>>, %arg7: memref<10x1024xf32, #tpu.memory_space<vmem>>, %arg8: memref<2x256xf32, #tpu.memory_space<vmem>>, %arg9: memref<10x1024xf32, #tpu.memory_space<vmem>>, %arg10: memref<10x1024xf32, #tpu.memory_space<vmem>>) attributes {dimension_semantics = [#tpu.dimension_semantics<arbitrary>], iteration_bounds = array<i64: 6>, scalar_prefetch = 0 : i64, scratch_operands = 0 : i64, tpu.core_type = #tpu.core_type<tc>, window_params = [{transform_indices = @transform_0, window_bounds = array<i64: 2, 1024, 256>}, {pipeline_mode = #tpu.pipeline_mode<synchronous>, transform_indices = @transform_1, window_bounds = array<i64: 2, 256, 256>}, {transform_indices = @transform_2, window_bounds = array<i64: 1, 10, 128>}, {transform_indices = @transform_3, window_bounds = array<i64: 1, 10, 128>}, {transform_indices = @transform_4, window_bounds = array<i64: 1, 10, 128>}, {transform_indices = @transform_5, window_bounds = array<i64: 1, 10, 128>}, {pipeline_mode = #tpu.pipeline_mode<synchronous>, transform_indices = @transform_6, window_bounds = array<i64: 10, 1024>}, {pipeline_mode = #tpu.pipeline_mode<synchronous>, transform_indices = @transform_7, window_bounds = array<i64: 2, 256>}, {pipeline_mode = #tpu.pipeline_mode<synchronous>, transform_indices = @transform_8, window_bounds = array<i64: 10, 1024>}, {pipeline_mode = #tpu.pipeline_mode<synchronous>, transform_indices = @transform_9, window_bounds = array<i64: 10, 1024>}]} {
    %get3A = arith.constant 1 : index
    %get3A_0 = arith.constant 0 : index
    %get3A_1 = arith.constant 0 : index
    %get3A_2 = vector.load %arg2[%get3A, %get3A_0, %get3A_1] : memref<2x256x256xf32, #tpu.memory_space<vmem>>, vector<1x256x256xf32>
    %get3A_3 = vector.shape_cast %get3A_2 : vector<1x256x256xf32> to vector<256x256xf32>
    %get3A_4 = arith.constant 0 : index
    %get3A_5 = arith.constant 0 : index
    %get3A_6 = arith.constant 0 : index
    %get3A_7 = vector.load %arg1[%get3A_4, %get3A_5, %get3A_6] : memref<2x1024x256xf32, #tpu.memory_space<vmem>>, vector<1x1024x256xf32>
    %get3A_8 = vector.shape_cast %get3A_7 : vector<1x1024x256xf32> to vector<1024x256xf32>
    %get3A_9 = arith.constant 0 : index
    %get3A_10 = arith.constant 0 : index
    %get3A_11 = arith.constant 0 : index
    %get3A_12 = vector.load %arg3[%get3A_9, %get3A_10, %get3A_11] : memref<1x10x128xf32, #tpu.memory_space<vmem>>, vector<1x10x128xf32>
    %get3A_13 = vector.shape_cast %get3A_12 : vector<1x10x128xf32> to vector<10x128xf32>
    %get3A_14 = arith.constant 0 : index
    %get3A_15 = arith.constant 0 : index
    %get3A_16 = arith.constant 0 : index
    %get3A_17 = vector.load %arg4[%get3A_14, %get3A_15, %get3A_16] : memref<1x10x128xf32, #tpu.memory_space<vmem>>, vector<1x10x128xf32>
    %get3A_18 = vector.shape_cast %get3A_17 : vector<1x10x128xf32> to vector<10x128xf32>
    %dot_general3A = arith.constant dense<0.000000e+00> : vector<256x1024xf32>
    %dot_general3A_19 = tpu.matmul %get3A_3, %get3A_8, %dot_general3A {dimension_numbers = #tpu.dot_dimension_numbers<[1], [1], [0], [0], [0, 0, 1, 0], [], []>, transpose_lhs_hint = false} : vector<256x256xf32>, vector<1024x256xf32>, vector<256x1024xf32> -> vector<256x1024xf32>
    %get3A_20 = arith.constant 0 : index
    %get3A_21 = arith.constant 0 : index
    %get3A_22 = vector.load %arg8[%get3A_20, %get3A_21] : memref<2x256xf32, #tpu.memory_space<vmem>>, vector<2x256xf32>
    %mul3A = arith.mulf %dot_general3A_19, %dot_general3A_19 : vector<256x1024xf32>
    %dot_general3A_23 = arith.constant dense<0.000000e+00> : vector<2x1024xf32>
    %dot_general3A_24 = tpu.matmul %get3A_22, %mul3A, %dot_general3A_23 {dimension_numbers = #tpu.dot_dimension_numbers<[1], [0], [0], [1], [0, 0, 1, 1], [], []>, transpose_lhs_hint = false} : vector<2x256xf32>, vector<256x1024xf32>, vector<2x1024xf32> -> vector<2x1024xf32>
    %sqrt3A = math.sqrt %dot_general3A_24 : vector<2x1024xf32>
    %max3A = arith.constant 9.99999996E-13 : f32
    %max3A_25 = vector.broadcast %max3A : f32 to vector<2x1024xf32>
    %max3A_26 = arith.maximumf %sqrt3A, %max3A_25 : vector<2x1024xf32>
    %div3A = arith.constant 1.000000e+00 : f32
    %div3A_27 = vector.broadcast %div3A : f32 to vector<2x1024xf32>
    %div3A_28 = arith.divf %div3A_27, %max3A_26 : vector<2x1024xf32>
    %slice3A = vector.extract_strided_slice %dot_general3A_19 {offsets = [0, 0], sizes = [128, 1024], strides = [1, 1]} : vector<256x1024xf32> to vector<128x1024xf32>
    %dot_general3A_29 = arith.constant dense<0.000000e+00> : vector<10x1024xf32>
    %dot_general3A_30 = tpu.matmul %get3A_13, %slice3A, %dot_general3A_29 {dimension_numbers = #tpu.dot_dimension_numbers<[1], [0], [0], [1], [0, 0, 1, 1], [], []>, transpose_lhs_hint = false} : vector<10x128xf32>, vector<128x1024xf32>, vector<10x1024xf32> -> vector<10x1024xf32>
    %slice3A_31 = vector.extract_strided_slice %dot_general3A_19 {offsets = [128, 0], sizes = [128, 1024], strides = [1, 1]} : vector<256x1024xf32> to vector<128x1024xf32>
    %dot_general3A_32 = arith.constant dense<0.000000e+00> : vector<10x1024xf32>
    %dot_general3A_33 = tpu.matmul %get3A_18, %slice3A_31, %dot_general3A_32 {dimension_numbers = #tpu.dot_dimension_numbers<[1], [0], [0], [1], [0, 0, 1, 1], [], []>, transpose_lhs_hint = false} : vector<10x128xf32>, vector<128x1024xf32>, vector<10x1024xf32> -> vector<10x1024xf32>
    %slice3A_34 = vector.extract_strided_slice %div3A_28 {offsets = [0, 0], sizes = [1, 1024], strides = [1, 1]} : vector<2x1024xf32> to vector<1x1024xf32>
    %mul3A_35 = vector.broadcast %slice3A_34 : vector<1x1024xf32> to vector<10x1024xf32>
    %mul3A_36 = arith.mulf %dot_general3A_30, %mul3A_35 : vector<10x1024xf32>
    %slice3A_37 = vector.extract_strided_slice %div3A_28 {offsets = [1, 0], sizes = [1, 1024], strides = [1, 1]} : vector<2x1024xf32> to vector<1x1024xf32>
    %mul3A_38 = vector.broadcast %slice3A_37 : vector<1x1024xf32> to vector<10x1024xf32>
    %mul3A_39 = arith.mulf %dot_general3A_33, %mul3A_38 : vector<10x1024xf32>
    %add3A = arith.addf %mul3A_36, %mul3A_39 : vector<10x1024xf32>
    %get3A_40 = arith.constant 1 : index
    %get3A_41 = arith.constant 0 : index
    %get3A_42 = arith.constant 0 : index
    %get3A_43 = vector.load %arg1[%get3A_40, %get3A_41, %get3A_42] : memref<2x1024x256xf32, #tpu.memory_space<vmem>>, vector<1x1024x256xf32>
    %get3A_44 = vector.shape_cast %get3A_43 : vector<1x1024x256xf32> to vector<1024x256xf32>
    %get3A_45 = arith.constant 1 : index
    %get3A_46 = arith.constant 0 : index
    %get3A_47 = arith.constant 0 : index
    %get3A_48 = vector.load %arg2[%get3A_45, %get3A_46, %get3A_47] : memref<2x256x256xf32, #tpu.memory_space<vmem>>, vector<1x256x256xf32>
    %get3A_49 = vector.shape_cast %get3A_48 : vector<1x256x256xf32> to vector<256x256xf32>
    %get3A_50 = arith.constant 0 : index
    %get3A_51 = arith.constant 0 : index
    %get3A_52 = arith.constant 0 : index
    %get3A_53 = vector.load %arg5[%get3A_50, %get3A_51, %get3A_52] : memref<1x10x128xf32, #tpu.memory_space<vmem>>, vector<1x10x128xf32>
    %get3A_54 = vector.shape_cast %get3A_53 : vector<1x10x128xf32> to vector<10x128xf32>
    %get3A_55 = arith.constant 0 : index
    %get3A_56 = arith.constant 0 : index
    %get3A_57 = arith.constant 0 : index
    %get3A_58 = vector.load %arg6[%get3A_55, %get3A_56, %get3A_57] : memref<1x10x128xf32, #tpu.memory_space<vmem>>, vector<1x10x128xf32>
    %get3A_59 = vector.shape_cast %get3A_58 : vector<1x10x128xf32> to vector<10x128xf32>
    %dot_general3A_60 = arith.constant dense<0.000000e+00> : vector<256x1024xf32>
    %dot_general3A_61 = tpu.matmul %get3A_49, %get3A_44, %dot_general3A_60 {dimension_numbers = #tpu.dot_dimension_numbers<[1], [1], [0], [0], [0, 0, 1, 0], [], []>, transpose_lhs_hint = false} : vector<256x256xf32>, vector<1024x256xf32>, vector<256x1024xf32> -> vector<256x1024xf32>
    %get3A_62 = arith.constant 0 : index
    %get3A_63 = arith.constant 0 : index
    %get3A_64 = vector.load %arg8[%get3A_62, %get3A_63] : memref<2x256xf32, #tpu.memory_space<vmem>>, vector<2x256xf32>
    %mul3A_65 = arith.mulf %dot_general3A_61, %dot_general3A_61 : vector<256x1024xf32>
    %dot_general3A_66 = arith.constant dense<0.000000e+00> : vector<2x1024xf32>
    %dot_general3A_67 = tpu.matmul %get3A_64, %mul3A_65, %dot_general3A_66 {dimension_numbers = #tpu.dot_dimension_numbers<[1], [0], [0], [1], [0, 0, 1, 1], [], []>, transpose_lhs_hint = false} : vector<2x256xf32>, vector<256x1024xf32>, vector<2x1024xf32> -> vector<2x1024xf32>
    %sqrt3A_68 = math.sqrt %dot_general3A_67 : vector<2x1024xf32>
    %max3A_69 = arith.constant 9.99999996E-13 : f32
    %max3A_70 = vector.broadcast %max3A_69 : f32 to vector<2x1024xf32>
    %max3A_71 = arith.maximumf %sqrt3A_68, %max3A_70 : vector<2x1024xf32>
    %div3A_72 = arith.constant 1.000000e+00 : f32
    %div3A_73 = vector.broadcast %div3A_72 : f32 to vector<2x1024xf32>
    %div3A_74 = arith.divf %div3A_73, %max3A_71 : vector<2x1024xf32>
    %slice3A_75 = vector.extract_strided_slice %dot_general3A_61 {offsets = [0, 0], sizes = [128, 1024], strides = [1, 1]} : vector<256x1024xf32> to vector<128x1024xf32>
    %dot_general3A_76 = arith.constant dense<0.000000e+00> : vector<10x1024xf32>
    %dot_general3A_77 = tpu.matmul %get3A_54, %slice3A_75, %dot_general3A_76 {dimension_numbers = #tpu.dot_dimension_numbers<[1], [0], [0], [1], [0, 0, 1, 1], [], []>, transpose_lhs_hint = false} : vector<10x128xf32>, vector<128x1024xf32>, vector<10x1024xf32> -> vector<10x1024xf32>
    %slice3A_78 = vector.extract_strided_slice %dot_general3A_61 {offsets = [128, 0], sizes = [128, 1024], strides = [1, 1]} : vector<256x1024xf32> to vector<128x1024xf32>
    %dot_general3A_79 = arith.constant dense<0.000000e+00> : vector<10x1024xf32>
    %dot_general3A_80 = tpu.matmul %get3A_59, %slice3A_78, %dot_general3A_79 {dimension_numbers = #tpu.dot_dimension_numbers<[1], [0], [0], [1], [0, 0, 1, 1], [], []>, transpose_lhs_hint = false} : vector<10x128xf32>, vector<128x1024xf32>, vector<10x1024xf32> -> vector<10x1024xf32>
    %slice3A_81 = vector.extract_strided_slice %div3A_74 {offsets = [0, 0], sizes = [1, 1024], strides = [1, 1]} : vector<2x1024xf32> to vector<1x1024xf32>
    %mul3A_82 = vector.broadcast %slice3A_81 : vector<1x1024xf32> to vector<10x1024xf32>
    %mul3A_83 = arith.mulf %dot_general3A_77, %mul3A_82 : vector<10x1024xf32>
    %slice3A_84 = vector.extract_strided_slice %div3A_74 {offsets = [1, 0], sizes = [1, 1024], strides = [1, 1]} : vector<2x1024xf32> to vector<1x1024xf32>
    %mul3A_85 = vector.broadcast %slice3A_84 : vector<1x1024xf32> to vector<10x1024xf32>
    %mul3A_86 = arith.mulf %dot_general3A_80, %mul3A_85 : vector<10x1024xf32>
    %add3A_87 = arith.addf %mul3A_83, %mul3A_86 : vector<10x1024xf32>
    %add3A_88 = arith.addf %add3A, %add3A_87 : vector<10x1024xf32>
    %eq3A = arith.constant 0 : i32
    %eq3A_89 = arith.cmpi eq, %arg0, %eq3A : i32
    %convert_element_type3A = arith.extui %eq3A_89 : i1 to i32
    %cond3A = arith.constant 0 : i32
    %cond3A_90 = arith.cmpi ne, %convert_element_type3A, %cond3A : i32
    scf.if %cond3A_90 {
      %get3A_100 = arith.constant 0 : index
      %get3A_101 = arith.constant 0 : index
      %get3A_102 = vector.load %arg9[%get3A_100, %get3A_101] : memref<10x1024xf32, #tpu.memory_space<vmem>>, vector<10x1024xf32>
      %add3A_103 = arith.addf %get3A_102, %add3A_88 : vector<10x1024xf32>
      %swap3A = arith.constant 0 : index
      %swap3A_104 = arith.constant 0 : index
      %swap3A_105 = vector.load %arg10[%swap3A, %swap3A_104] : memref<10x1024xf32, #tpu.memory_space<vmem>>, vector<10x1024xf32>
      tpu.vector_store %arg10[%swap3A, %swap3A_104], %add3A_103 {strides = array<i32>} : memref<10x1024xf32, #tpu.memory_space<vmem>>, vector<10x1024xf32>,
    } else {
    }
    %gt3A = arith.constant 0 : i32
    %gt3A_91 = arith.cmpi sgt, %arg0, %gt3A : i32
    %convert_element_type3A_92 = arith.extui %gt3A_91 : i1 to i32
    %cond3A_93 = arith.constant 0 : i32
    %cond3A_94 = arith.cmpi ne, %convert_element_type3A_92, %cond3A_93 : i32
    scf.if %cond3A_94 {
      %get3A_100 = arith.constant 0 : index
      %get3A_101 = arith.constant 0 : index
      %get3A_102 = vector.load %arg10[%get3A_100, %get3A_101] : memref<10x1024xf32, #tpu.memory_space<vmem>>, vector<10x1024xf32>
      %add3A_103 = arith.addf %get3A_102, %add3A_88 : vector<10x1024xf32>
      %swap3A = arith.constant 0 : index
      %swap3A_104 = arith.constant 0 : index
      %swap3A_105 = vector.load %arg10[%swap3A, %swap3A_104] : memref<10x1024xf32, #tpu.memory_space<vmem>>, vector<10x1024xf32>
      tpu.vector_store %arg10[%swap3A, %swap3A_104], %add3A_103 {strides = array<i32>} : memref<10x1024xf32, #tpu.memory_space<vmem>>, vector<10x1024xf32>,
    } else {
    }
    %eq3A_95 = arith.constant 5 : i32
    %eq3A_96 = arith.cmpi eq, %arg0, %eq3A_95 : i32
    %convert_element_type3A_97 = arith.extui %eq3A_96 : i1 to i32
    %cond3A_98 = arith.constant 0 : i32
    %cond3A_99 = arith.cmpi ne, %convert_element_type3A_97, %cond3A_98 : i32
    scf.if %cond3A_99 {
      %get3A_100 = arith.constant 0 : index
      %get3A_101 = arith.constant 0 : index
      %get3A_102 = vector.load %arg10[%get3A_100, %get3A_101] : memref<10x1024xf32, #tpu.memory_space<vmem>>, vector<10x1024xf32>
      %get3A_103 = arith.constant 0 : index
      %get3A_104 = arith.constant 0 : index
      %get3A_105 = vector.load %arg7[%get3A_103, %get3A_104] : memref<10x1024xf32, #tpu.memory_space<vmem>>, vector<10x1024xf32>
      %add3A_106 = arith.addf %get3A_102, %get3A_105 : vector<10x1024xf32>
      %reduce_max3A = arith.constant dense<0xFF800000> : vector<1024xf32>
      %reduce_max3A_107 = vector.multi_reduction <maximumf>, %add3A_106, %reduce_max3A [0] : vector<10x1024xf32> to vector<1024xf32>
      %broadcast_in_dim3A = vector.shape_cast %reduce_max3A_107 : vector<1024xf32> to vector<1x1024xf32>
      %sub3A = vector.broadcast %broadcast_in_dim3A : vector<1x1024xf32> to vector<10x1024xf32>
      %sub3A_108 = arith.subf %add3A_106, %sub3A : vector<10x1024xf32>
      %exp3A = math.exp %sub3A_108 : vector<10x1024xf32>
      %reduce_sum3A = arith.constant dense<0.000000e+00> : vector<1024xf32>
      %reduce_sum3A_109 = vector.multi_reduction <add>, %exp3A, %reduce_sum3A [0] : vector<10x1024xf32> to vector<1024xf32>
      %broadcast_in_dim3A_110 = vector.shape_cast %reduce_sum3A_109 : vector<1024xf32> to vector<1x1024xf32>
      %div3A_111 = vector.broadcast %broadcast_in_dim3A_110 : vector<1x1024xf32> to vector<10x1024xf32>
      %div3A_112 = arith.divf %exp3A, %div3A_111 : vector<10x1024xf32>
      %swap3A = arith.constant 0 : index
      %swap3A_113 = arith.constant 0 : index
      %swap3A_114 = vector.load %arg10[%swap3A, %swap3A_113] : memref<10x1024xf32, #tpu.memory_space<vmem>>, vector<10x1024xf32>
      tpu.vector_store %arg10[%swap3A, %swap3A_113], %div3A_112 {strides = array<i32>} : memref<10x1024xf32, #tpu.memory_space<vmem>>, vector<10x1024xf32>,
    } else {
    }
    return
  }
  func.func @transform_0(%arg0: i32) -> (i32, i32, i32) {
    %c0_i32 = arith.constant 0 : i32
    %c0_i32_0 = arith.constant 0 : i32
    %c0_i32_1 = arith.constant 0 : i32
    return %arg0, %c0_i32, %c0_i32_0 : i32, i32, i32
  }
  func.func @transform_1(%arg0: i32) -> (i32, i32, i32) {
    %c0_i32 = arith.constant 0 : i32
    %c0_i32_0 = arith.constant 0 : i32
    %c0_i32_1 = arith.constant 0 : i32
    %c0_i32_2 = arith.constant 0 : i32
    return %c0_i32, %c0_i32_0, %c0_i32_1 : i32, i32, i32
  }
  func.func @transform_2(%arg0: i32) -> (i32, i32, i32) {
    %mul3A = arith.constant 2 : i32
    %mul3A_0 = arith.muli %mul3A, %arg0 : i32
    %add3A = arith.constant 15 : i32
    %add3A_1 = arith.addi %add3A, %mul3A_0 : i32
    %c0_i32 = arith.constant 0 : i32
    %c0_i32_2 = arith.constant 0 : i32
    %c0_i32_3 = arith.constant 0 : i32
    return %add3A_1, %c0_i32, %c0_i32_2 : i32, i32, i32
  }
  func.func @transform_3(%arg0: i32) -> (i32, i32, i32) {
    %mul3A = arith.constant 2 : i32
    %mul3A_0 = arith.muli %mul3A, %arg0 : i32
    %add3A = arith.constant 40 : i32
    %add3A_1 = arith.addi %add3A, %mul3A_0 : i32
    %c0_i32 = arith.constant 0 : i32
    %c0_i32_2 = arith.constant 0 : i32
    %c0_i32_3 = arith.constant 0 : i32
    return %add3A_1, %c0_i32, %c0_i32_2 : i32, i32, i32
  }
  func.func @transform_4(%arg0: i32) -> (i32, i32, i32) {
    %mul3A = arith.constant 2 : i32
    %mul3A_0 = arith.muli %mul3A, %arg0 : i32
    %add3A = arith.constant 16 : i32
    %add3A_1 = arith.addi %add3A, %mul3A_0 : i32
    %c0_i32 = arith.constant 0 : i32
    %c0_i32_2 = arith.constant 0 : i32
    %c0_i32_3 = arith.constant 0 : i32
    return %add3A_1, %c0_i32, %c0_i32_2 : i32, i32, i32
  }
  func.func @transform_5(%arg0: i32) -> (i32, i32, i32) {
    %mul3A = arith.constant 2 : i32
    %mul3A_0 = arith.muli %mul3A, %arg0 : i32
    %add3A = arith.constant 41 : i32
    %add3A_1 = arith.addi %add3A, %mul3A_0 : i32
    %c0_i32 = arith.constant 0 : i32
    %c0_i32_2 = arith.constant 0 : i32
    %c0_i32_3 = arith.constant 0 : i32
    return %add3A_1, %c0_i32, %c0_i32_2 : i32, i32, i32
  }
  func.func @transform_6(%arg0: i32) -> (i32, i32) {
    %c0_i32 = arith.constant 0 : i32
    %c0_i32_0 = arith.constant 0 : i32
    %c0_i32_1 = arith.constant 0 : i32
    return %c0_i32, %c0_i32_0 : i32, i32
  }
  func.func @transform_7(%arg0: i32) -> (i32, i32) {
    %c0_i32 = arith.constant 0 : i32
    %c0_i32_0 = arith.constant 0 : i32
    %c0_i32_1 = arith.constant 0 : i32
    return %c0_i32, %c0_i32_0 : i32, i32
  }
  func.func @transform_8(%arg0: i32) -> (i32, i32) {
    %c0_i32 = arith.constant 0 : i32
    %c0_i32_0 = arith.constant 0 : i32
    %c0_i32_1 = arith.constant 0 : i32
    return %c0_i32, %c0_i32_0 : i32, i32
  }
  func.func @transform_9(%arg0: i32) -> (i32, i32) {
    %c0_i32 = arith.constant 0 : i32
    %c0_i32_0 = arith.constant 0 : i32
    %c0_i32_1 = arith.constant 0 : i32
    return %c0_i32, %c0_i32_0 : i32, i32
  }
}

</mosaic_0001>

<sc_bundles>
// kernel: kernel.6.cloned.1.call-start
scs
__scs_entry_jumppad:
0x0: {  	(pc) =	sbr.rel $0x88, $3  }
0x1: {  	(tag) =	ssettag $0x0;
	lr =	simm.s32 $0x1  }
0x2: {  	[smem:$0x3F9A] =	sst lr;
	_ =	strace $0xD0000000  }
0x3: {  	_ = 	snop  }
0x4: {  	_ = 	snop  }
0x5: {  	_ = 	snop  }
0x6: {  	_ = 	snop  }
0x7: {  	_ = 	snop  }
__scs_overlays_trampoline_lowered:
0x8: {  	[smem:$0x3FA9] =	sst s0  }
0x9: {  	[smem:$0x3FAA] =	sst s1  }
0xa: {  	[smem:$0x3FAB] =	sst s2  }
0xb: {  	[smem:$0x3FAC] =	sst s3  }
0xc: {  	[smem:$0x3FAD] =	sst s4  }
0xd: {  	[smem:$0x3FAE] =	sst s5  }
0xe: {  	[smem:$0x3FAF] =	sst s6  }
0xf: {  	[smem:$0x3FB0] =	sst s7  }
0x10: {  	[smem:$0x3FB1] =	sst s8  }
0x11: {  	[smem:$0x3FB2] =	sst s9;
	s0 =	simm.s32 @!p0 $0x0  }
0x12: {  	s1 =	sld [smem:$0x3F98];
	s0 =	simm.s32 @p0 $0x1  }
0x13: {  	[smem:$0x3FB3] =	sst s0;
	s0 =	simm.s32 @!p1 $0x0  }
0x14: {  	s2 =	sld [smem:$0x3F97];
	s0 =	simm.s32 @p1 $0x1  }
0x15: {  	[smem:$0x3FB4] =	sst s0;
	s0 =	simm.s32 @!p2 $0x0  }
0x16: {  	s3 =	sld [smem:$0x3FDB];
	s0 =	simm.s32 @p2 $0x1  }
0x17: {  	s4 =	simm.s32 $0x1BF5;
	[smem:$0x3FB6] =	sst s0  }
0x18: {  	s0 =	sld [smem:$0x3F99];
	_ =	swait.ge [sflag:s4], $0x0  }
0x19: {  	s7 =	sld [smem:$0x3F9A]  }
0x1a: {  	s8 =	sadd.s32 $0xFFFFE003, lr  }
0x1b: {  	s9 =	sadd.s32 $0xFFFFFEF7, lr;
	s5 =	simm.s32 $0xFFFFFFFF;
	p2 =	slt.u32 s8, $0xFFFFF086  }
0x1c: {  	p1 =	slt.u32 s9, $0xF7A;
	s5 =	simm.s32 @!p2 $0x0  }
0x1d: {  	s5 =	simm.s32 @p1 $0x1;
	p0 =	seq.s32 s7, s2  }
0x1e: {  	s7 =	smul.u32 @!p0 $0xF7A, s2;
	p2 =	seq.s32 @!p0 s5, $0x0  }
0x1f: {  	s9 =	smul.u32 $0xF7A, s1;
	s8 =	simm.s32 @!p0 $0x1BF5;
	p2 =	por !p2, p0  }
0x20: {  	[sflag:s8] =	ssyncset.s32 @!p0 $0xFFFFF086;
	s6 =	sadd.s32 @!p0 s3, s7;
	s7 =	simm.s32 @!p0 $0x108  }
0x21: {  	s3 =	sadd.s32 s3, s9;
	s6 =	sadd.s32 @!p0 $0x88, s6;
	s7 =	simm.s32 @p2 $0x1082  }
0x22: {  	[simem:s7], [sflag:s8] =	dma.local @!p0 [hbm:s6], $0xF7A  }
0x23: {  	s9 =	sor.u32 $0xD0000000, s2;
	s6 =	simm.s32 $0x108;
	_ =	swait.ge @!p0 [sflag:s8], $0x0  }
0x24: {  	s3 =	sadd.s32 $0x88, s3;
	s6 =	simm.s32 @!p1 $0x1082;
	[sflag:s4] =	ssyncset.s32 $0xFFFFF086  }
0x25: {  	[simem:s6], [sflag:s4] =	dma.local [hbm:s3], $0xF7A  }
0x26: {  	[smem:$0x3F9A] =	sst s1;
	(tag) =	ssettag s2;
	_ =	strace s9  }
0x27: {  	s1 =	sld [smem:$0x3FAA]  }
0x28: {  	s2 =	sld [smem:$0x3FAB]  }
0x29: {  	s4 =	sld [smem:$0x3FAD]  }
0x2a: {  	p0 =	seq.s32 s5, $0x0;
	s5 =	sld [smem:$0x3FAE]  }
0x2b: {  	s6 =	sld [smem:$0x3FAF]  }
0x2c: {  	s7 =	sld [smem:$0x3FB0]  }
0x2d: {  	s3 =	simm.s32 $0x108;
	s8 =	sld [smem:$0x3FB1]  }
0x2e: {  	s3 =	simm.s32 @!p0 $0x1082;
	s9 =	sld [smem:$0x3FB2]  }
0x2f: {  	lr =	sadd.s32 s0, s3;
	s0 =	sld [smem:$0x3FA9]  }
0x30: {  	s3 =	sld [smem:$0x3FAC]  }
0x31: {  	[smem:$0x3FB5] =	sst s10  }
0x32: {  	s10 =	sld [smem:$0x3FB3];
	_ =	sdelay $0x3  }
0x33: {  	p0 =	seq.s32 s10, $0x1;
	s10 =	sld [smem:$0x3FB5];
	_ =	sdelay $0x3  }
0x34: {  	[smem:$0x3FB5] =	sst s10  }
0x35: {  	s10 =	sld [smem:$0x3FB4];
	_ =	sdelay $0x3  }
0x36: {  	p1 =	seq.s32 s10, $0x1;
	s10 =	sld [smem:$0x3FB5];
	_ =	sdelay $0x3  }
0x37: {  	[smem:$0x3FB5] =	sst s10  }
0x38: {  	s10 =	sld [smem:$0x3FB6]  }
0x39: {  	_ = 	snop;
	(pc) =	sbr.ind lr, $3  }
0x3a: {  	_ = 	snop  }
0x3b: {  	_ = 	snop  }
0x3c: {  	p2 =	seq.s32 s10, $0x1;
	s10 =	sld [smem:$0x3FB5]  }
0x3d: {  	_ =	shalt  }
0x3e: {  	_ =	shalt  }
0x3f: {  	_ =	shalt  }
0x40: {  	_ =	shalt  }
0x41: {  	_ =	shalt  }
0x42: {  	_ =	shalt  }
0x43: {  	_ =	shalt  }
0x44: {  	_ =	shalt  }
0x45: {  	_ =	shalt  }
0x46: {  	_ =	shalt  }
0x47: {  	_ =	shalt  }
0x48: {  	_ =	shalt  }
0x49: {  	_ =	shalt  }
0x4a: {  	_ =	shalt  }
0x4b: {  	_ =	shalt  }
0x4c: {  	_ =	shalt  }
0x4d: {  	_ =	shalt  }
0x4e: {  	_ =	shalt  }
0x4f: {  	_ =	shalt  }
0x50: {  	_ =	shalt  }
0x51: {  	_ =	shalt  }
0x52: {  	_ =	shalt  }
0x53: {  	_ =	shalt  }
0x54: {  	_ =	shalt  }
0x55: {  	_ =	shalt  }
0x56: {  	_ =	shalt  }
0x57: {  	_ =	shalt  }
0x58: {  	_ =	shalt  }
0x59: {  	_ =	shalt  }
0x5a: {  	_ =	shalt  }
0x5b: {  	_ =	shalt  }
0x5c: {  	_ =	shalt  }
0x5d: {  	_ =	shalt  }
0x5e: {  	_ =	shalt  }
0x5f: {  	_ =	shalt  }
0x60: {  	_ =	shalt  }
0x61: {  	_ =	shalt  }
0x62: {  	_ =	shalt  }
0x63: {  	_ =	shalt  }
0x64: {  	_ =	shalt  }
0x65: {  	_ =	shalt  }
0x66: {  	_ =	shalt  }
0x67: {  	_ =	shalt  }
0x68: {  	_ =	shalt  }
0x69: {  	_ =	shalt  }
0x6a: {  	_ =	shalt  }
0x6b: {  	_ =	shalt  }
0x6c: {  	_ =	shalt  }
0x6d: {  	_ =	shalt  }
0x6e: {  	_ =	shalt  }
0x6f: {  	_ =	shalt  }
0x70: {  	_ =	shalt  }
0x71: {  	_ =	shalt  }
0x72: {  	_ =	shalt  }
0x73: {  	_ =	shalt  }
0x74: {  	_ =	shalt  }
0x75: {  	_ =	shalt  }
0x76: {  	_ =	shalt  }
0x77: {  	_ =	shalt  }
0x78: {  	_ =	shalt  }
0x79: {  	_ =	shalt  }
0x7a: {  	_ =	shalt  }
0x7b: {  	_ =	shalt  }
0x7c: {  	_ =	shalt  }
0x7d: {  	_ =	shalt  }
0x7e: {  	_ =	shalt  }
0x7f: {  	_ =	shalt  }
0x80: {  	_ =	shalt  }
0x81: {  	_ =	shalt  }
0x82: {  	_ =	shalt  }
0x83: {  	_ =	shalt  }
0x84: {  	_ =	shalt  }
0x85: {  	_ =	shalt  }
0x86: {  	_ =	shalt  }
0x87: {  	_ =	shalt  }
.Lfunc_end0:
.L_simem_size_0:
called_computation_lowered:
.L_overlay_start_0:
0x88: {  	s2 =	sld [smem:$0x3FD9]  }
0x89: {  	s3 =	sld [smem:$0x3FFE];
	_ =	sdelay $0x1  }
0x8a: {  	s1 =	srdreg.scid  }
0x8b: {  	s0 =	sand.u32 $0x1, s1  }
0x8c: {  	s17 =	sshll.u32 s0, $0xA;
	s2 =	sadd.s32 s3, s2  }
0x8d: {  	s2 =	sadd.s32 s2, s17  }
0x8e: {  	[smem:$0x3FC1] =	sst s2  }
0x8f: {  	_ = 	snop  }
0x90: {  	s2 =	sld [smem:$0x3FC9]  }
0x91: {  	s18 =	sld [smem:$0x3FD0];
	(tm) =	ssettm $0x1  }
0x92: {  	s4 =	sld [smem:$0x3FFB];
	_ =	sdelay $0x3  }
0x93: {  	_ =	strace s4  }
0x94: {  	s4 =	sld [smem:$0x3FFC];
	_ =	sdelay $0x3  }
0x95: {  	_ =	strace s4  }
0x96: {  	s4 =	sld [smem:$0x3FFD];
	_ =	sdelay $0x3  }
0x97: {  	_ =	strace s4  }
0x98: {  	_ =	strace $0x8FFFFFFF  }
0x99: {  	s19 =	sld [smem:$0x3FDB];
	_ =	sdelay $0x1  }
0x9a: {  	s5 =	simm.s32 $_scs_section_size  }
0x9b: {  	s6 =	simm.s32 $_size__tile_overlayer_lowered;
	s7 =	simm.s32 $_tile_overlayer_lowered  }
0x9c: {  	s22 =	simm.s32 $0x1BFF;
	s21 =	sshll.u32 s7, $0x1;
	s4 =	sadd.s32 s5, s19  }
0x9d: {  	s8 =	simm.s32 $0x0;
	s20 =	sshll.u32 s6, $0x1;
	s6 =	sadd.s32 s21, s4  }
0x9e: {  	[timem:s8], [sflag:s22] =	dma.local [hbm:s6], s20  }
0x9f: {  	_ =	swait.ge [sflag:s22], s20  }
0xa0: {  	s5 =	ssub.s32 $0x0, s20;
	[sflag:s22] =	ssyncset.done $0x0  }
0xa1: {  	[sflag:s22] =	ssyncadd.s32 s5;
	_ =	sdelay $0x1  }
0xa2: {  	s23 =	simm.s32 $0x1B8B  }
0xa3: {  	_ =	swait.ge [sflag:s23], $0x1  }
0xa4: {  	[sflag:s23] =	ssyncset.done $0x0  }
0xa5: {  	s25 =	simm.s32 $0x1B8E;
	s24 =	sld [smem:$0x3FFE];
	[sflag:s23] =	ssyncadd.s32 $0xFFFFFFFF  }
0xa6: {  	s26 =	simm.s32 $execute0_lowered;
	[smem:$0x3FD2] =	sst s25  }
0xa7: {  	s6 =	sshll.u32 s26, $0x1;
	_ =	strace $0x80000046;
	[dreg:$0x1] =	wrdreg $0xFFFFFFFF  }
0xa8: {  	s28 =	simm.s32 $_size_execute0_lowered;
	s4 =	sadd.s32 s4, s6;
	[dreg:$0x0] =	wrdreg $0x0  }
0xa9: {  	s6 =	sshll.u32 s28, $0x1;
	[dreg:$0x2] =	wrdreg s4  }
0xaa: {  	[dreg:$0x3] =	wrdreg s6  }
0xab: {  	[dreg:$0x4] =	wrdreg $0xC0  }
0xac: {  	_ =	task [dreg:s8], $0x5FFFF  }
0xad: {  	[dreg:$0x1] =	wrdreg $0xFFFFFFFF  }
0xae: {  	[dreg:$0x0] =	wrdreg $0x60  }
0xaf: {  	[dreg:$0x2] =	wrdreg s2  }
0xb0: {  	[dreg:$0x3] =	wrdreg s18  }
0xb1: {  	[dreg:$0x4] =	wrdreg s24  }
0xb2: {  	[dreg:$0x5] =	wrdreg $0x9  }
0xb3: {  	_ =	task.clear_ibuf [dreg:s8], $0x6FFFF;
	_ =	strace $0x90000046  }
0xb4: {  	s29 =	simm.s32 $0x9;
	_ =	strace $0x80000048  }
0xb5: {  	_ =	swait.ge [sflag:s29], $0x1  }
0xb6: {  	[sflag:s29] =	ssyncadd.s32 $0xFFFFFFFF  }
0xb7: {  	_ =	strace $0x90000048  }
0xb8: {  	_ =	sfence  }
0xb9: {  	s30 =	sld [smem:$0x0];
	_ =	sdelay $0x2  }
0xba: {  	s31 =	sshll.u32 s1, $0xD;
	s1 =	sshrl.u32 s1, $0x2  }
0xbb: {  	s3 =	sand.u32 $0x4000, s31;
	s1 =	sadd.s32 s1, s30  }
0xbc: {  	s0 =	sor.u32 s3, s0;
	s1 =	sshll.u32 s1, $0x11  }
0xbd: {  	s0 =	sor.u32 s1, s0  }
0xbe: {  	s0 =	sadd.s32 $0x8F2B, s0  }
0xbf: {  	[sflag:s0] =	ssyncadd.remote.s32 $0x1  }
0xc0: {  	_ =	sfence.sel $0xFFFF  }
0xc1: {  	[dreg:$0x0] =	wrdreg $0xFFFFFFFF;
	(pc) =	sbr.abs _section_cstart, $3  }
0xc2: {  	[dreg:$0x1] =	wrdreg $0xFFFFFFFF  }
0xc3: {  	_ =	task.clear_ibuf [dreg:s8], $0x2FFFF;
	_ =	strace $0x9FFFFFFF  }
0xc4: {  	(tm) =	ssettm $0x7FFFFFFF  }
0xc5: {  	_ =	shalt  }
tec
execute0_lowered:
.L_overlay_start_1:
0x0: {  	(tag) =	ssettag $0x1  }
0x1: {  	s2 =	srdreg.scid  }
0x2: {  	s0 =	stileid.u32;
	s1 =	rddreg [dreg:$0x0]  }
0x3: {  	s4 =	rddreg [dreg:$0x1];
	s2 =	sand.u32 $0x1, s2;
	s3 =	sshll.u32 s0, $0x1  }
0x4: {  	s6 =	rddreg [dreg:$0x2];
	s5 =	sor.u32 s2, s3;
	s3 =	simm.s32 $0x0  }
0x5: {  	s17 =	simm.s32 $0xA00;
	[smem:$0x7FF] =	sst s3  }
0x6: {  	s18 =	simm.s32 $0x1200;
	_ =	strace $0x80000047;
	[dreg:$0x6] =	wrdreg s17  }
0x7: {  	s19 =	simm.s32 $0x1A00;
	[dreg:$0x7] =	wrdreg s18  }
0x8: {  	s20 =	simm.s32 $0x2200;
	[dreg:$0x8] =	wrdreg s19  }
0x9: {  	s21 =	simm.s32 $0x2A00;
	[dreg:$0x9] =	wrdreg s20  }
0xa: {  	s22 =	simm.s32 $0x3200;
	[dreg:$0xa] =	wrdreg s21  }
0xb: {  	s23 =	simm.s32 $0x3A00;
	[dreg:$0xb] =	wrdreg s22  }
0xc: {  	s24 =	simm.s32 $0x4200;
	[dreg:$0xc] =	wrdreg s23  }
0xd: {  	s25 =	simm.s32 $0x4A00;
	[dreg:$0xd] =	wrdreg s24  }
0xe: {  	s26 =	simm.s32 $0x5200;
	[dreg:$0xe] =	wrdreg s25  }
0xf: {  	s0 =	simm.s32 $0x5A00;
	[dreg:$0xf] =	wrdreg s26  }
0x10: {  	s8 =	simm.s32 $0x7A00;
	[dreg:$0x10] =	wrdreg s0  }
0x11: {  	s9 =	simm.s32 $0x8200;
	s10 =	simm.s32 $0x8A00;
	[dreg:$0x14] =	wrdreg s8  }
0x12: {  	s11 =	simm.s32 $0x9200;
	s12 =	simm.s32 $0x9A00;
	[dreg:$0x15] =	wrdreg s9  }
0x13: {  	s13 =	simm.s32 $0xA200;
	s14 =	simm.s32 $0xAA00;
	[dreg:$0x16] =	wrdreg s10  }
0x14: {  	s15 =	simm.s32 $0xB200;
	s28 =	simm.s32 $0x1AA00;
	[dreg:$0x17] =	wrdreg s11  }
0x15: {  	s29 =	simm.s32 $0x1B200;
	s30 =	simm.s32 $0x1BA00;
	[dreg:$0x18] =	wrdreg s12  }
0x16: {  	s31 =	simm.s32 $0x1;
	s7 =	smul.u32 $0x3800, s5;
	[dreg:$0x19] =	wrdreg s13  }
0x17: {  	s2 =	ssub.s32 $0x2, s2;
	s5 =	smul.u32 $0x38, s5;
	[dreg:$0x1a] =	wrdreg s14  }
0x18: {  	[dreg:$0x1b] =	wrdreg s15;
	s17 =	simm.s32 $0xC200;
	s18 =	simm.s32 $0xCA00  }
0x19: {  	s19 =	simm.s32 $0xD200;
	s20 =	simm.s32 $0xDA00;
	s21 =	simm.s32 $0xE200  }
0x1a: {  	s22 =	sshrl.u32 s2, $0x1;
	s23 =	simm.s32 $0xEA00;
	[dreg:$0x1d] =	wrdreg s17  }
0x1b: {  	s24 =	simm.s32 $0xF200;
	s25 =	simm.s32 $0xFA00;
	[dreg:$0x1e] =	wrdreg s18  }
0x1c: {  	s26 =	simm.s32 $0x10200;
	s8 =	simm.s32 $0x11200;
	[dreg:$0x1f] =	wrdreg s19  }
0x1d: {  	s9 =	simm.s32 $0x11A00;
	s10 =	simm.s32 $0x12200;
	[smem:$0x7F8] =	sst s20  }
0x1e: {  	s11 =	simm.s32 $0x12A00;
	s12 =	simm.s32 $0x13200;
	[smem:$0x7F9] =	sst s21  }
0x1f: {  	s13 =	simm.s32 $0x13A00;
	s14 =	simm.s32 $0x14200;
	[smem:$0x7FA] =	sst s23  }
0x20: {  	s15 =	simm.s32 $0x14A00;
	s6 =	sadd.s32 s7, s6;
	[smem:$0x7FB] =	sst s24  }
0x21: {  	s4 =	sadd.s32 s4, s5;
	s5 =	simm.s32 $0x6200;
	[smem:$0x7FC] =	sst s25  }
0x22: {  	s7 =	simm.s32 $0x7200;
	s2 =	ssub.s32 s2, s22;
	[smem:$0x7FD] =	sst s26  }
0x23: {  	s17 =	simm.s32 $0x15A00;
	s18 =	simm.s32 $0x16200;
	s19 =	simm.s32 $0x16A00  }
0x24: {  	s20 =	simm.s32 $0x17200;
	s21 =	simm.s32 $0x17A00;
	s22 =	simm.s32 $0x18200  }
0x25: {  	s23 =	simm.s32 $0x18A00;
	s24 =	simm.s32 $0x19200;
	[dreg:$0x4] =	wrdreg s4  }
0x26: {  	s25 =	simm.s32 $0x19A00;
	s26 =	simm.s32 $0x1A200;
	[dreg:$0x11] =	wrdreg s5  }
0x27: {  	s16 =	sadd.s32 $0x1A00, s6;
	s6 =	simm.s32 $0x6A00;
	[dreg:$0x13] =	wrdreg s7  }
0x28: {  	v2 =	vlaneseq.u32;
	s4 =	smax.u32 s2, $0x1;
	s5 =	simm.s32 $0x3;
	[dreg:$0x5] =	wrdreg s16  }
0x29: {  	vm0 =	vmmov $0xffff;
	v1 =	vshrl.u32 v2, $0x3;
	s2 =	simm.s32 $0x2;
	[dreg:$0x12] =	wrdreg s6;
	s16 =	simm.s32 $0xBA00  }
0x2a: {  	v0 =	vand.u32 $0x7, v2;
	v2 =	vor.u32 $0x8, v2;
	v1 =	vmul.u32 $0x8, v1;
	s6 =	simm.s32 $0x200;
	[dreg:$0x1c] =	wrdreg s16;
	s16 =	simm.s32 $0x15200  }
.LBB2_1:
0x2b: {  	s0 =	rddreg [dreg:$0x4]  }
0x2c: {  	[tilespmem:s3], [sflag:$0x3] =	stream.linear.gather [hbm4b:s0+s3], $0x1C0, $0x38;
	[tilespmem:$0x1C200] =	vst v63  }
0x2d: {  	_ =	swait.ge [sflag:s5], $0x1C0  }
0x2e: {  	[sflag:s5] =	ssyncset.done $0x0  }
0x2f: {  	[sflag:s5] =	ssyncadd.s32 $0xFFFFFE40  }
0x30: {  	v3 =	vld [tilespmem:$0x0];
	_ =	sdelay $0x4  }
0x31: {  	v4 =	vshll.u32 v3, $0x1  }
0x32: {  	v3 =	vand.u32 $0x7, v3;
	v4 =	vand.u32 $0xFFFFFFF0, v4  }
0x33: {  	v3 =	vor.u32 v3, v4  }
0x34: {  	v4 =	vperm.xlane v3, v0;
	_ =	sdelay $0x1  }
0x35: {  	v3 =	vperm.xlane v3, v2;
	v4 =	vadd.s32 v1, v4;
	_ =	sdelay $0x1  }
0x36: {  	v3 =	vadd.s32 v1, v3;
	_ =	sdelay $0x2  }
0x37: {  	[tilespmem:s6], [sflag:$0x1] =	stream.indirect_vreg.gather [hbm4b:s1+s3], $0x80, v4, vm0, $0xb8;
	[tilespmem:$0x1C200] =	vst v63  }
0x38: {  	s7 =	rddreg [dreg:$0x6]  }
0x39: {  	[tilespmem:s7], [sflag:$0x1] =	stream.indirect_vreg.gather [hbm4b:s1+s3], $0x80, v3, vm0, $0xb8;
	[tilespmem:$0x1C200] =	vst v63  }
0x3a: {  	v3 =	vld [tilespmem:$0x10];
	_ =	sdelay $0x4  }
0x3b: {  	v37 =	vshll.u32 v3, $0x1  }
0x3c: {  	v3 =	vand.u32 $0x7, v3;
	v4 =	vand.u32 $0xFFFFFFF0, v37  }
0x3d: {  	v3 =	vor.u32 v3, v4  }
0x3e: {  	v4 =	vperm.xlane v3, v0;
	_ =	sdelay $0x1  }
0x3f: {  	v3 =	vperm.xlane v3, v2;
	v4 =	vadd.s32 v1, v4;
	_ =	sdelay $0x1  }
0x40: {  	v3 =	vadd.s32 v1, v3;
	_ =	sdelay $0x1  }
0x41: {  	s0 =	rddreg [dreg:$0x7]  }
0x42: {  	[tilespmem:s0], [sflag:$0x1] =	stream.indirect_vreg.gather [hbm4b:s1+s3], $0x80, v4, vm0, $0xb8;
	[tilespmem:$0x1C200] =	vst v63  }
0x43: {  	s7 =	rddreg [dreg:$0x8]  }
0x44: {  	[tilespmem:s7], [sflag:$0x1] =	stream.indirect_vreg.gather [hbm4b:s1+s3], $0x80, v3, vm0, $0xb8;
	[tilespmem:$0x1C200] =	vst v63  }
0x45: {  	v3 =	vld [tilespmem:$0x20];
	_ =	sdelay $0x4  }
0x46: {  	v38 =	vshll.u32 v3, $0x1  }
0x47: {  	v3 =	vand.u32 $0x7, v3;
	v4 =	vand.u32 $0xFFFFFFF0, v38  }
0x48: {  	v3 =	vor.u32 v3, v4  }
0x49: {  	v4 =	vperm.xlane v3, v0;
	_ =	sdelay $0x1  }
0x4a: {  	v3 =	vperm.xlane v3, v2;
	v4 =	vadd.s32 v1, v4;
	_ =	sdelay $0x1  }
0x4b: {  	v3 =	vadd.s32 v1, v3;
	_ =	sdelay $0x1  }
0x4c: {  	s0 =	rddreg [dreg:$0x9]  }
0x4d: {  	[tilespmem:s0], [sflag:$0x1] =	stream.indirect_vreg.gather [hbm4b:s1+s3], $0x80, v4, vm0, $0xb8;
	[tilespmem:$0x1C200] =	vst v63  }
0x4e: {  	s7 =	rddreg [dreg:$0xa]  }
0x4f: {  	[tilespmem:s7], [sflag:$0x1] =	stream.indirect_vreg.gather [hbm4b:s1+s3], $0x80, v3, vm0, $0xb8;
	[tilespmem:$0x1C200] =	vst v63  }
0x50: {  	v3 =	vld [tilespmem:$0x30];
	_ =	sdelay $0x4  }
0x51: {  	v39 =	vshll.u32 v3, $0x1  }
0x52: {  	v3 =	vand.u32 $0x7, v3;
	v4 =	vand.u32 $0xFFFFFFF0, v39  }
0x53: {  	v3 =	vor.u32 v3, v4  }
0x54: {  	v4 =	vperm.xlane v3, v0;
	_ =	sdelay $0x1  }
0x55: {  	v3 =	vperm.xlane v3, v2;
	v4 =	vadd.s32 v1, v4;
	_ =	sdelay $0x1  }
0x56: {  	v3 =	vadd.s32 v1, v3;
	_ =	sdelay $0x1  }
0x57: {  	s0 =	rddreg [dreg:$0xb]  }
0x58: {  	[tilespmem:s0], [sflag:$0x1] =	stream.indirect_vreg.gather [hbm4b:s1+s3], $0x80, v4, vm0, $0xb8;
	[tilespmem:$0x1C200] =	vst v63  }
0x59: {  	s7 =	rddreg [dreg:$0xc]  }
0x5a: {  	[tilespmem:s7], [sflag:$0x1] =	stream.indirect_vreg.gather [hbm4b:s1+s3], $0x80, v3, vm0, $0xb8;
	[tilespmem:$0x1C200] =	vst v63  }
0x5b: {  	v3 =	vld [tilespmem:$0x40];
	_ =	sdelay $0x4  }
0x5c: {  	v40 =	vshll.u32 v3, $0x1  }
0x5d: {  	v3 =	vand.u32 $0x7, v3;
	v4 =	vand.u32 $0xFFFFFFF0, v40  }
0x5e: {  	v3 =	vor.u32 v3, v4  }
0x5f: {  	v4 =	vperm.xlane v3, v0;
	_ =	sdelay $0x1  }
0x60: {  	v3 =	vperm.xlane v3, v2;
	v4 =	vadd.s32 v1, v4;
	_ =	sdelay $0x1  }
0x61: {  	v3 =	vadd.s32 v1, v3;
	_ =	sdelay $0x1  }
0x62: {  	s0 =	rddreg [dreg:$0xd]  }
0x63: {  	[tilespmem:s0], [sflag:$0x1] =	stream.indirect_vreg.gather [hbm4b:s1+s3], $0x80, v4, vm0, $0xb8;
	[tilespmem:$0x1C200] =	vst v63  }
0x64: {  	s7 =	rddreg [dreg:$0xe]  }
0x65: {  	[tilespmem:s7], [sflag:$0x1] =	stream.indirect_vreg.gather [hbm4b:s1+s3], $0x80, v3, vm0, $0xb8;
	[tilespmem:$0x1C200] =	vst v63  }
0x66: {  	v3 =	vld [tilespmem:$0x50];
	_ =	sdelay $0x4  }
0x67: {  	v41 =	vshll.u32 v3, $0x1  }
0x68: {  	v3 =	vand.u32 $0x7, v3;
	v4 =	vand.u32 $0xFFFFFFF0, v41  }
0x69: {  	v3 =	vor.u32 v3, v4  }
0x6a: {  	v4 =	vperm.xlane v3, v0;
	_ =	sdelay $0x1  }
0x6b: {  	v3 =	vperm.xlane v3, v2;
	v4 =	vadd.s32 v1, v4;
	_ =	sdelay $0x1  }
0x6c: {  	v3 =	vadd.s32 v1, v3;
	_ =	sdelay $0x1  }
0x6d: {  	s0 =	rddreg [dreg:$0xf]  }
0x6e: {  	[tilespmem:s0], [sflag:$0x1] =	stream.indirect_vreg.gather [hbm4b:s1+s3], $0x80, v4, vm0, $0xb8;
	[tilespmem:$0x1C200] =	vst v63  }
0x6f: {  	s7 =	rddreg [dreg:$0x10]  }
0x70: {  	[tilespmem:s7], [sflag:$0x1] =	stream.indirect_vreg.gather [hbm4b:s1+s3], $0x80, v3, vm0, $0xb8;
	[tilespmem:$0x1C200] =	vst v63  }
0x71: {  	v3 =	vld [tilespmem:$0x60];
	_ =	sdelay $0x4  }
0x72: {  	v42 =	vshll.u32 v3, $0x1  }
0x73: {  	v3 =	vand.u32 $0x7, v3;
	v4 =	vand.u32 $0xFFFFFFF0, v42  }
0x74: {  	v3 =	vor.u32 v3, v4  }
0x75: {  	v4 =	vperm.xlane v3, v0;
	_ =	sdelay $0x1  }
0x76: {  	v3 =	vperm.xlane v3, v2;
	v4 =	vadd.s32 v1, v4;
	_ =	sdelay $0x1  }
0x77: {  	v3 =	vadd.s32 v1, v3;
	_ =	sdelay $0x1  }
0x78: {  	s0 =	rddreg [dreg:$0x11]  }
0x79: {  	[tilespmem:s0], [sflag:$0x1] =	stream.indirect_vreg.gather [hbm4b:s1+s3], $0x80, v4, vm0, $0xb8;
	[tilespmem:$0x1C200] =	vst v63  }
0x7a: {  	s7 =	rddreg [dreg:$0x12]  }
0x7b: {  	[tilespmem:s7], [sflag:$0x1] =	stream.indirect_vreg.gather [hbm4b:s1+s3], $0x80, v3, vm0, $0xb8;
	[tilespmem:$0x1C200] =	vst v63  }
0x7c: {  	v3 =	vld [tilespmem:$0x70];
	_ =	sdelay $0x4  }
0x7d: {  	v43 =	vshll.u32 v3, $0x1  }
0x7e: {  	v3 =	vand.u32 $0x7, v3;
	v4 =	vand.u32 $0xFFFFFFF0, v43  }
0x7f: {  	v3 =	vor.u32 v3, v4  }
0x80: {  	v4 =	vperm.xlane v3, v0;
	_ =	sdelay $0x1  }
0x81: {  	v3 =	vperm.xlane v3, v2;
	v4 =	vadd.s32 v1, v4;
	_ =	sdelay $0x1  }
0x82: {  	v3 =	vadd.s32 v1, v3;
	_ =	sdelay $0x1  }
0x83: {  	s0 =	rddreg [dreg:$0x13]  }
0x84: {  	[tilespmem:s0], [sflag:$0x1] =	stream.indirect_vreg.gather [hbm4b:s1+s3], $0x80, v4, vm0, $0xb8;
	[tilespmem:$0x1C200] =	vst v63  }
0x85: {  	s7 =	rddreg [dreg:$0x14]  }
0x86: {  	[tilespmem:s7], [sflag:$0x1] =	stream.indirect_vreg.gather [hbm4b:s1+s3], $0x80, v3, vm0, $0xb8;
	[tilespmem:$0x1C200] =	vst v63  }
0x87: {  	v3 =	vld [tilespmem:$0x80];
	_ =	sdelay $0x4  }
0x88: {  	v44 =	vshll.u32 v3, $0x1  }
0x89: {  	v3 =	vand.u32 $0x7, v3;
	v4 =	vand.u32 $0xFFFFFFF0, v44  }
0x8a: {  	v3 =	vor.u32 v3, v4  }
0x8b: {  	v4 =	vperm.xlane v3, v0;
	_ =	sdelay $0x1  }
0x8c: {  	v3 =	vperm.xlane v3, v2;
	v4 =	vadd.s32 v1, v4;
	_ =	sdelay $0x1  }
0x8d: {  	v3 =	vadd.s32 v1, v3;
	_ =	sdelay $0x1  }
0x8e: {  	s0 =	rddreg [dreg:$0x15]  }
0x8f: {  	[tilespmem:s0], [sflag:$0x1] =	stream.indirect_vreg.gather [hbm4b:s1+s3], $0x80, v4, vm0, $0xb8;
	[tilespmem:$0x1C200] =	vst v63  }
0x90: {  	s7 =	rddreg [dreg:$0x16]  }
0x91: {  	[tilespmem:s7], [sflag:$0x1] =	stream.indirect_vreg.gather [hbm4b:s1+s3], $0x80, v3, vm0, $0xb8;
	[tilespmem:$0x1C200] =	vst v63  }
0x92: {  	v3 =	vld [tilespmem:$0x90];
	_ =	sdelay $0x4  }
0x93: {  	v45 =	vshll.u32 v3, $0x1  }
0x94: {  	v3 =	vand.u32 $0x7, v3;
	v4 =	vand.u32 $0xFFFFFFF0, v45  }
0x95: {  	v3 =	vor.u32 v3, v4  }
0x96: {  	v4 =	vperm.xlane v3, v0;
	_ =	sdelay $0x1  }
0x97: {  	v3 =	vperm.xlane v3, v2;
	v4 =	vadd.s32 v1, v4;
	_ =	sdelay $0x1  }
0x98: {  	v3 =	vadd.s32 v1, v3;
	_ =	sdelay $0x1  }
0x99: {  	s0 =	rddreg [dreg:$0x17]  }
0x9a: {  	[tilespmem:s0], [sflag:$0x1] =	stream.indirect_vreg.gather [hbm4b:s1+s3], $0x80, v4, vm0, $0xb8;
	[tilespmem:$0x1C200] =	vst v63  }
0x9b: {  	s7 =	rddreg [dreg:$0x18]  }
0x9c: {  	[tilespmem:s7], [sflag:$0x1] =	stream.indirect_vreg.gather [hbm4b:s1+s3], $0x80, v3, vm0, $0xb8;
	[tilespmem:$0x1C200] =	vst v63  }
0x9d: {  	v3 =	vld [tilespmem:$0xA0];
	_ =	sdelay $0x4  }
0x9e: {  	v46 =	vshll.u32 v3, $0x1  }
0x9f: {  	v3 =	vand.u32 $0x7, v3;
	v4 =	vand.u32 $0xFFFFFFF0, v46  }
0xa0: {  	v3 =	vor.u32 v3, v4  }
0xa1: {  	v4 =	vperm.xlane v3, v0;
	_ =	sdelay $0x1  }
0xa2: {  	v3 =	vperm.xlane v3, v2;
	v4 =	vadd.s32 v1, v4;
	_ =	sdelay $0x1  }
0xa3: {  	v3 =	vadd.s32 v1, v3;
	_ =	sdelay $0x1  }
0xa4: {  	s0 =	rddreg [dreg:$0x19]  }
0xa5: {  	[tilespmem:s0], [sflag:$0x1] =	stream.indirect_vreg.gather [hbm4b:s1+s3], $0x80, v4, vm0, $0xb8;
	[tilespmem:$0x1C200] =	vst v63  }
0xa6: {  	s7 =	rddreg [dreg:$0x1a]  }
0xa7: {  	[tilespmem:s7], [sflag:$0x1] =	stream.indirect_vreg.gather [hbm4b:s1+s3], $0x80, v3, vm0, $0xb8;
	[tilespmem:$0x1C200] =	vst v63  }
0xa8: {  	v3 =	vld [tilespmem:$0xB0];
	_ =	sdelay $0x4  }
0xa9: {  	v47 =	vshll.u32 v3, $0x1  }
0xaa: {  	v3 =	vand.u32 $0x7, v3;
	v4 =	vand.u32 $0xFFFFFFF0, v47  }
0xab: {  	v3 =	vor.u32 v3, v4  }
0xac: {  	v4 =	vperm.xlane v3, v0;
	_ =	sdelay $0x1  }
0xad: {  	v3 =	vperm.xlane v3, v2;
	v4 =	vadd.s32 v1, v4;
	_ =	sdelay $0x1  }
0xae: {  	v3 =	vadd.s32 v1, v3;
	_ =	sdelay $0x1  }
0xaf: {  	s0 =	rddreg [dreg:$0x1b]  }
0xb0: {  	[tilespmem:s0], [sflag:$0x1] =	stream.indirect_vreg.gather [hbm4b:s1+s3], $0x80, v4, vm0, $0xb8;
	[tilespmem:$0x1C200] =	vst v63  }
0xb1: {  	s7 =	rddreg [dreg:$0x1c]  }
0xb2: {  	[tilespmem:s7], [sflag:$0x1] =	stream.indirect_vreg.gather [hbm4b:s1+s3], $0x80, v3, vm0, $0xb8;
	[tilespmem:$0x1C200] =	vst v63  }
0xb3: {  	v3 =	vld [tilespmem:$0xC0];
	_ =	sdelay $0x4  }
0xb4: {  	v48 =	vshll.u32 v3, $0x1  }
0xb5: {  	v3 =	vand.u32 $0x7, v3;
	v4 =	vand.u32 $0xFFFFFFF0, v48  }
0xb6: {  	v3 =	vor.u32 v3, v4  }
0xb7: {  	v4 =	vperm.xlane v3, v0;
	_ =	sdelay $0x1  }
0xb8: {  	v3 =	vperm.xlane v3, v2;
	v4 =	vadd.s32 v1, v4;
	_ =	sdelay $0x1  }
0xb9: {  	v3 =	vadd.s32 v1, v3;
	_ =	sdelay $0x1  }
0xba: {  	s0 =	rddreg [dreg:$0x1d]  }
0xbb: {  	[tilespmem:s0], [sflag:$0x1] =	stream.indirect_vreg.gather [hbm4b:s1+s3], $0x80, v4, vm0, $0xb8;
	[tilespmem:$0x1C200] =	vst v63  }
0xbc: {  	s7 =	rddreg [dreg:$0x1e]  }
0xbd: {  	[tilespmem:s7], [sflag:$0x1] =	stream.indirect_vreg.gather [hbm4b:s1+s3], $0x80, v3, vm0, $0xb8;
	[tilespmem:$0x1C200] =	vst v63  }
0xbe: {  	v3 =	vld [tilespmem:$0xD0];
	_ =	sdelay $0x4  }
0xbf: {  	v49 =	vshll.u32 v3, $0x1  }
0xc0: {  	v3 =	vand.u32 $0x7, v3;
	v4 =	vand.u32 $0xFFFFFFF0, v49  }
0xc1: {  	v3 =	vor.u32 v3, v4  }
0xc2: {  	v4 =	vperm.xlane v3, v0;
	_ =	sdelay $0x1  }
0xc3: {  	v3 =	vperm.xlane v3, v2;
	v4 =	vadd.s32 v1, v4;
	_ =	sdelay $0x1  }
0xc4: {  	v3 =	vadd.s32 v1, v3  }
0xc5: {  	s0 =	rddreg [dreg:$0x1f]  }
0xc6: {  	s7 =	sld [smem:$0x7F8]  }
0xc7: {  	[tilespmem:s0], [sflag:$0x1] =	stream.indirect_vreg.gather [hbm4b:s1+s3], $0x80, v4, vm0, $0xb8;
	[tilespmem:$0x1C200] =	vst v63  }
0xc8: {  	_ = 	snop  }
0xc9: {  	[tilespmem:s7], [sflag:$0x1] =	stream.indirect_vreg.gather [hbm4b:s1+s3], $0x80, v3, vm0, $0xb8;
	[tilespmem:$0x1C200] =	vst v63  }
0xca: {  	v3 =	vld [tilespmem:$0xE0];
	_ =	sdelay $0x4  }
0xcb: {  	v50 =	vshll.u32 v3, $0x1  }
0xcc: {  	v3 =	vand.u32 $0x7, v3;
	v4 =	vand.u32 $0xFFFFFFF0, v50  }
0xcd: {  	v3 =	vor.u32 v3, v4  }
0xce: {  	v4 =	vperm.xlane v3, v0;
	_ =	sdelay $0x1  }
0xcf: {  	v3 =	vperm.xlane v3, v2;
	v4 =	vadd.s32 v1, v4;
	_ =	sdelay $0x1  }
0xd0: {  	s0 =	sld [smem:$0x7F9];
	v3 =	vadd.s32 v1, v3;
	_ =	sdelay $0x1  }
0xd1: {  	s7 =	sld [smem:$0x7FA]  }
0xd2: {  	[tilespmem:s0], [sflag:$0x1] =	stream.indirect_vreg.gather [hbm4b:s1+s3], $0x80, v4, vm0, $0xb8;
	[tilespmem:$0x1C200] =	vst v63  }
0xd3: {  	_ = 	snop  }
0xd4: {  	[tilespmem:s7], [sflag:$0x1] =	stream.indirect_vreg.gather [hbm4b:s1+s3], $0x80, v3, vm0, $0xb8;
	[tilespmem:$0x1C200] =	vst v63  }
0xd5: {  	v3 =	vld [tilespmem:$0xF0];
	_ =	sdelay $0x4  }
0xd6: {  	v51 =	vshll.u32 v3, $0x1  }
0xd7: {  	v3 =	vand.u32 $0x7, v3;
	v4 =	vand.u32 $0xFFFFFFF0, v51  }
0xd8: {  	v3 =	vor.u32 v3, v4  }
0xd9: {  	v4 =	vperm.xlane v3, v0;
	_ =	sdelay $0x1  }
0xda: {  	v3 =	vperm.xlane v3, v2;
	v4 =	vadd.s32 v1, v4;
	_ =	sdelay $0x1  }
0xdb: {  	s0 =	sld [smem:$0x7FB];
	v3 =	vadd.s32 v1, v3;
	_ =	sdelay $0x1  }
0xdc: {  	s7 =	sld [smem:$0x7FC]  }
0xdd: {  	[tilespmem:s0], [sflag:$0x1] =	stream.indirect_vreg.gather [hbm4b:s1+s3], $0x80, v4, vm0, $0xb8;
	[tilespmem:$0x1C200] =	vst v63  }
0xde: {  	_ = 	snop  }
0xdf: {  	[tilespmem:s7], [sflag:$0x1] =	stream.indirect_vreg.gather [hbm4b:s1+s3], $0x80, v3, vm0, $0xb8;
	[tilespmem:$0x1C200] =	vst v63  }
0xe0: {  	v3 =	vld [tilespmem:$0x100];
	_ =	sdelay $0x4  }
0xe1: {  	v52 =	vshll.u32 v3, $0x1  }
0xe2: {  	v3 =	vand.u32 $0x7, v3;
	v4 =	vand.u32 $0xFFFFFFF0, v52  }
0xe3: {  	v3 =	vor.u32 v3, v4  }
0xe4: {  	v4 =	vperm.xlane v3, v0;
	_ =	sdelay $0x1  }
0xe5: {  	v3 =	vperm.xlane v3, v2;
	v4 =	vadd.s32 v1, v4;
	_ =	sdelay $0x1  }
0xe6: {  	s7 =	sld [smem:$0x7FD];
	v3 =	vadd.s32 v1, v3;
	_ =	sdelay $0x2  }
0xe7: {  	[tilespmem:s7], [sflag:$0x1] =	stream.indirect_vreg.gather [hbm4b:s1+s3], $0x80, v4, vm0, $0xb8;
	[tilespmem:$0x1C200] =	vst v63  }
0xe8: {  	s7 =	simm.s32 $0x10A00  }
0xe9: {  	[tilespmem:s7], [sflag:$0x1] =	stream.indirect_vreg.gather [hbm4b:s1+s3], $0x80, v3, vm0, $0xb8;
	[tilespmem:$0x1C200] =	vst v63  }
0xea: {  	v3 =	vld [tilespmem:$0x110];
	_ =	sdelay $0x4  }
0xeb: {  	v53 =	vshll.u32 v3, $0x1  }
0xec: {  	v3 =	vand.u32 $0x7, v3;
	v4 =	vand.u32 $0xFFFFFFF0, v53  }
0xed: {  	v3 =	vor.u32 v3, v4  }
0xee: {  	v4 =	vperm.xlane v3, v0;
	_ =	sdelay $0x1  }
0xef: {  	v3 =	vperm.xlane v3, v2;
	v4 =	vadd.s32 v1, v4;
	_ =	sdelay $0x1  }
0xf0: {  	v3 =	vadd.s32 v1, v3;
	_ =	sdelay $0x2  }
0xf1: {  	[tilespmem:s8], [sflag:$0x1] =	stream.indirect_vreg.gather [hbm4b:s1+s3], $0x80, v4, vm0, $0xb8;
	[tilespmem:$0x1C200] =	vst v63  }
0xf2: {  	_ = 	snop  }
0xf3: {  	[tilespmem:s9], [sflag:$0x1] =	stream.indirect_vreg.gather [hbm4b:s1+s3], $0x80, v3, vm0, $0xb8;
	[tilespmem:$0x1C200] =	vst v63  }
0xf4: {  	v3 =	vld [tilespmem:$0x120];
	_ =	sdelay $0x4  }
0xf5: {  	v54 =	vshll.u32 v3, $0x1  }
0xf6: {  	v3 =	vand.u32 $0x7, v3;
	v4 =	vand.u32 $0xFFFFFFF0, v54  }
0xf7: {  	v3 =	vor.u32 v3, v4  }
0xf8: {  	v4 =	vperm.xlane v3, v0;
	_ =	sdelay $0x1  }
0xf9: {  	v3 =	vperm.xlane v3, v2;
	v4 =	vadd.s32 v1, v4;
	_ =	sdelay $0x1  }
0xfa: {  	v3 =	vadd.s32 v1, v3;
	_ =	sdelay $0x2  }
0xfb: {  	[tilespmem:s10], [sflag:$0x1] =	stream.indirect_vreg.gather [hbm4b:s1+s3], $0x80, v4, vm0, $0xb8;
	[tilespmem:$0x1C200] =	vst v63  }
0xfc: {  	_ = 	snop  }
0xfd: {  	[tilespmem:s11], [sflag:$0x1] =	stream.indirect_vreg.gather [hbm4b:s1+s3], $0x80, v3, vm0, $0xb8;
	[tilespmem:$0x1C200] =	vst v63  }
0xfe: {  	v3 =	vld [tilespmem:$0x130];
	_ =	sdelay $0x4  }
0xff: {  	v55 =	vshll.u32 v3, $0x1  }
0x100: {  	v3 =	vand.u32 $0x7, v3;
	v4 =	vand.u32 $0xFFFFFFF0, v55  }
0x101: {  	v3 =	vor.u32 v3, v4  }
0x102: {  	v4 =	vperm.xlane v3, v0;
	_ =	sdelay $0x1  }
0x103: {  	v3 =	vperm.xlane v3, v2;
	v4 =	vadd.s32 v1, v4;
	_ =	sdelay $0x1  }
0x104: {  	v3 =	vadd.s32 v1, v3;
	_ =	sdelay $0x2  }
0x105: {  	[tilespmem:s12], [sflag:$0x1] =	stream.indirect_vreg.gather [hbm4b:s1+s3], $0x80, v4, vm0, $0xb8;
	[tilespmem:$0x1C200] =	vst v63  }
0x106: {  	_ = 	snop  }
0x107: {  	[tilespmem:s13], [sflag:$0x1] =	stream.indirect_vreg.gather [hbm4b:s1+s3], $0x80, v3, vm0, $0xb8;
	[tilespmem:$0x1C200] =	vst v63  }
0x108: {  	v3 =	vld [tilespmem:$0x140];
	_ =	sdelay $0x4  }
0x109: {  	v56 =	vshll.u32 v3, $0x1  }
0x10a: {  	v3 =	vand.u32 $0x7, v3;
	v4 =	vand.u32 $0xFFFFFFF0, v56  }
0x10b: {  	v3 =	vor.u32 v3, v4  }
0x10c: {  	v4 =	vperm.xlane v3, v0;
	_ =	sdelay $0x1  }
0x10d: {  	v3 =	vperm.xlane v3, v2;
	v4 =	vadd.s32 v1, v4;
	_ =	sdelay $0x1  }
0x10e: {  	v3 =	vadd.s32 v1, v3;
	_ =	sdelay $0x2  }
0x10f: {  	[tilespmem:s14], [sflag:$0x1] =	stream.indirect_vreg.gather [hbm4b:s1+s3], $0x80, v4, vm0, $0xb8;
	[tilespmem:$0x1C200] =	vst v63  }
0x110: {  	_ = 	snop  }
0x111: {  	[tilespmem:s15], [sflag:$0x1] =	stream.indirect_vreg.gather [hbm4b:s1+s3], $0x80, v3, vm0, $0xb8;
	[tilespmem:$0x1C200] =	vst v63  }
0x112: {  	v3 =	vld [tilespmem:$0x150];
	_ =	sdelay $0x4  }
0x113: {  	v57 =	vshll.u32 v3, $0x1  }
0x114: {  	v3 =	vand.u32 $0x7, v3;
	v4 =	vand.u32 $0xFFFFFFF0, v57  }
0x115: {  	v3 =	vor.u32 v3, v4  }
0x116: {  	v4 =	vperm.xlane v3, v0;
	_ =	sdelay $0x1  }
0x117: {  	v3 =	vperm.xlane v3, v2;
	v4 =	vadd.s32 v1, v4;
	_ =	sdelay $0x1  }
0x118: {  	v3 =	vadd.s32 v1, v3;
	_ =	sdelay $0x2  }
0x119: {  	[tilespmem:s16], [sflag:$0x1] =	stream.indirect_vreg.gather [hbm4b:s1+s3], $0x80, v4, vm0, $0xb8;
	[tilespmem:$0x1C200] =	vst v63  }
0x11a: {  	_ = 	snop  }
0x11b: {  	[tilespmem:s17], [sflag:$0x1] =	stream.indirect_vreg.gather [hbm4b:s1+s3], $0x80, v3, vm0, $0xb8;
	[tilespmem:$0x1C200] =	vst v63  }
0x11c: {  	v3 =	vld [tilespmem:$0x160];
	_ =	sdelay $0x4  }
0x11d: {  	v58 =	vshll.u32 v3, $0x1  }
0x11e: {  	v3 =	vand.u32 $0x7, v3;
	v4 =	vand.u32 $0xFFFFFFF0, v58  }
0x11f: {  	v3 =	vor.u32 v3, v4  }
0x120: {  	v4 =	vperm.xlane v3, v0;
	_ =	sdelay $0x1  }
0x121: {  	v3 =	vperm.xlane v3, v2;
	v4 =	vadd.s32 v1, v4;
	_ =	sdelay $0x1  }
0x122: {  	v3 =	vadd.s32 v1, v3;
	_ =	sdelay $0x2  }
0x123: {  	[tilespmem:s18], [sflag:$0x1] =	stream.indirect_vreg.gather [hbm4b:s1+s3], $0x80, v4, vm0, $0xb8;
	[tilespmem:$0x1C200] =	vst v63  }
0x124: {  	_ = 	snop  }
0x125: {  	[tilespmem:s19], [sflag:$0x1] =	stream.indirect_vreg.gather [hbm4b:s1+s3], $0x80, v3, vm0, $0xb8;
	[tilespmem:$0x1C200] =	vst v63  }
0x126: {  	v3 =	vld [tilespmem:$0x170];
	_ =	sdelay $0x4  }
0x127: {  	v59 =	vshll.u32 v3, $0x1  }
0x128: {  	v3 =	vand.u32 $0x7, v3;
	v4 =	vand.u32 $0xFFFFFFF0, v59  }
0x129: {  	v3 =	vor.u32 v3, v4  }
0x12a: {  	v4 =	vperm.xlane v3, v0;
	_ =	sdelay $0x1  }
0x12b: {  	v3 =	vperm.xlane v3, v2;
	v4 =	vadd.s32 v1, v4;
	_ =	sdelay $0x1  }
0x12c: {  	v3 =	vadd.s32 v1, v3;
	_ =	sdelay $0x2  }
0x12d: {  	[tilespmem:s20], [sflag:$0x1] =	stream.indirect_vreg.gather [hbm4b:s1+s3], $0x80, v4, vm0, $0xb8;
	[tilespmem:$0x1C200] =	vst v63  }
0x12e: {  	_ = 	snop  }
0x12f: {  	[tilespmem:s21], [sflag:$0x1] =	stream.indirect_vreg.gather [hbm4b:s1+s3], $0x80, v3, vm0, $0xb8;
	[tilespmem:$0x1C200] =	vst v63  }
0x130: {  	v3 =	vld [tilespmem:$0x180];
	_ =	sdelay $0x4  }
0x131: {  	v60 =	vshll.u32 v3, $0x1  }
0x132: {  	v3 =	vand.u32 $0x7, v3;
	v4 =	vand.u32 $0xFFFFFFF0, v60  }
0x133: {  	v3 =	vor.u32 v3, v4  }
0x134: {  	v4 =	vperm.xlane v3, v0;
	_ =	sdelay $0x1  }
0x135: {  	v3 =	vperm.xlane v3, v2;
	v4 =	vadd.s32 v1, v4;
	_ =	sdelay $0x1  }
0x136: {  	v3 =	vadd.s32 v1, v3;
	_ =	sdelay $0x2  }
0x137: {  	[tilespmem:s22], [sflag:$0x1] =	stream.indirect_vreg.gather [hbm4b:s1+s3], $0x80, v4, vm0, $0xb8;
	[tilespmem:$0x1C200] =	vst v63  }
0x138: {  	_ = 	snop  }
0x139: {  	[tilespmem:s23], [sflag:$0x1] =	stream.indirect_vreg.gather [hbm4b:s1+s3], $0x80, v3, vm0, $0xb8;
	[tilespmem:$0x1C200] =	vst v63  }
0x13a: {  	v3 =	vld [tilespmem:$0x190];
	_ =	sdelay $0x4  }
0x13b: {  	v61 =	vshll.u32 v3, $0x1  }
0x13c: {  	v3 =	vand.u32 $0x7, v3;
	v4 =	vand.u32 $0xFFFFFFF0, v61  }
0x13d: {  	v3 =	vor.u32 v3, v4  }
0x13e: {  	v4 =	vperm.xlane v3, v0;
	_ =	sdelay $0x1  }
0x13f: {  	v3 =	vperm.xlane v3, v2;
	v4 =	vadd.s32 v1, v4;
	_ =	sdelay $0x1  }
0x140: {  	v3 =	vadd.s32 v1, v3;
	_ =	sdelay $0x2  }
0x141: {  	[tilespmem:s24], [sflag:$0x1] =	stream.indirect_vreg.gather [hbm4b:s1+s3], $0x80, v4, vm0, $0xb8;
	[tilespmem:$0x1C200] =	vst v63  }
0x142: {  	_ = 	snop  }
0x143: {  	[tilespmem:s25], [sflag:$0x1] =	stream.indirect_vreg.gather [hbm4b:s1+s3], $0x80, v3, vm0, $0xb8;
	[tilespmem:$0x1C200] =	vst v63  }
0x144: {  	v3 =	vld [tilespmem:$0x1A0];
	_ =	sdelay $0x4  }
0x145: {  	v62 =	vshll.u32 v3, $0x1  }
0x146: {  	v3 =	vand.u32 $0x7, v3;
	v4 =	vand.u32 $0xFFFFFFF0, v62  }
0x147: {  	v3 =	vor.u32 v3, v4  }
0x148: {  	v4 =	vperm.xlane v3, v0;
	_ =	sdelay $0x1  }
0x149: {  	v3 =	vperm.xlane v3, v2;
	v4 =	vadd.s32 v1, v4;
	_ =	sdelay $0x1  }
0x14a: {  	v3 =	vadd.s32 v1, v3;
	_ =	sdelay $0x2  }
0x14b: {  	[tilespmem:s26], [sflag:$0x1] =	stream.indirect_vreg.gather [hbm4b:s1+s3], $0x80, v4, vm0, $0xb8;
	[tilespmem:$0x1C200] =	vst v63  }
0x14c: {  	_ = 	snop  }
0x14d: {  	[tilespmem:s28], [sflag:$0x1] =	stream.indirect_vreg.gather [hbm4b:s1+s3], $0x80, v3, vm0, $0xb8;
	[tilespmem:$0x1C200] =	vst v63  }
0x14e: {  	v3 =	vld [tilespmem:$0x1B0];
	_ =	sdelay $0x4  }
0x14f: {  	v63 =	vshll.u32 v3, $0x1  }
0x150: {  	v3 =	vand.u32 $0x7, v3;
	v4 =	vand.u32 $0xFFFFFFF0, v63  }
0x151: {  	v3 =	vor.u32 v3, v4  }
0x152: {  	v4 =	vperm.xlane v3, v0;
	_ =	sdelay $0x1  }
0x153: {  	v3 =	vperm.xlane v3, v2;
	v4 =	vadd.s32 v1, v4;
	_ =	sdelay $0x1  }
0x154: {  	v3 =	vadd.s32 v1, v3;
	_ =	sdelay $0x2  }
0x155: {  	[tilespmem:s29], [sflag:$0x1] =	stream.indirect_vreg.gather [hbm4b:s1+s3], $0x80, v4, vm0, $0xb8;
	[tilespmem:$0x1C200] =	vst v63  }
0x156: {  	_ = 	snop  }
0x157: {  	[tilespmem:s30], [sflag:$0x1] =	stream.indirect_vreg.gather [hbm4b:s1+s3], $0x80, v3, vm0, $0xb8;
	[tilespmem:$0x1C200] =	vst v63  }
0x158: {  	_ =	swait.ge [sflag:s31], $0x1C000  }
0x159: {  	p0 =	sne.s32 s4, $0x1;
	[sflag:s31] =	ssyncset.done $0x0  }
.Ltmp0:
0x15a: {  	s7 =	rddreg [dreg:$0x5];
	[sflag:s31] =	ssyncadd.s32 $0xFFFE4000;
	(pc) =	sbr.rel @p0 .LBB2_1-.Ltmp0, $4  }
0x15b: {  	[hbm4b:s7+s3] =	stream.linear.scatter [tilespmem:s6], [sflag:$0x2], $0x1C000, $0x38;
	[tilespmem:$0x1C200] =	vst v63  }
0x15c: {  	_ =	swait.ge [sflag:s2], $0x1C000  }
0x15d: {  	[sflag:s2] =	ssyncset.done $0x0  }
0x15e: {  	s4 =	sadd.s32 $0xFFFFFFFF, s4;
	[sflag:s2] =	ssyncadd.s32 $0xFFFE4000  }
0x15f: {  	_ =	sfence.sel $0x180000  }
0x160: {  	[bflag:$0x0] =	sbarrier.arrive $0xFFFF  }
0x161: {  	_ =	strace $0x90000047  }
0x162: {  	s0 =	stileid.u32;
	[bflag:$0x2] =	sbarrier.arrive $0xFFFF  }
0x163: {  	p0 =	sne.s32 s0, $0x0;
	s0 =	rddreg [dreg:$0x3]  }
0x164: {  	s0 =	sadd.s32 @!p0 $0x100000, s0  }
0x165: {  	[sflag:s0] =	ssyncadd.tile.s32 @!p0 $0x1;
	_ =	shalt  }
.Lfunc_end2:
_tile_overlayer_lowered:
.L_overlay_start_2:
0x166: {  	(tag) =	ssettag $0x2  }
0x167: {  	s0 =	rddreg [dreg:$0x0];
	s2 =	stileid.u32  }
0x168: {  	s1 =	rddreg [dreg:$0x1];
	p0 =	sne.s32 s2, $0x0  }
0x169: {  	s3 =	rddreg [dreg:$0x2];
	[bflag:$0x3] =	sbarrier.arrive $0xFFFF;
	s2 =	simm.s32 @!p0 $0x1C03  }
0x16a: {  	[timem:s3], [sflag:s2] =	dma.local @!p0 [hbm:s0], s1  }
0x16b: {  	s0 =	simm.s32 @!p0 $0x3  }
0x16c: {  	_ =	swait.ge @!p0 [sflag:s0], s1  }
0x16d: {  	s1 =	ssub.s32 @!p0 $0x0, s1;
	[sflag:s0] =	ssyncset.done @!p0 $0x0  }
0x16e: {  	[sflag:s0] =	ssyncadd.s32 @!p0 s1  }
0x16f: {  	[bflag:$0x3] =	sbarrier.arrive $0xFFFF  }
0x170: {  	_ =	shalt  }

// kernel: kernel.9.cloned.1.call-start
scs
__scs_entry_jumppad:
0x0: {  	(pc) =	sbr.rel $0x88, $3  }
0x1: {  	(tag) =	ssettag $0x0;
	lr =	simm.s32 $0x1  }
0x2: {  	[smem:$0x3F9A] =	sst lr;
	_ =	strace $0xD0000000  }
0x3: {  	_ = 	snop  }
0x4: {  	_ = 	snop  }
0x5: {  	_ = 	snop  }
0x6: {  	_ = 	snop  }
0x7: {  	_ = 	snop  }
__scs_overlays_trampoline_lowered:
0x8: {  	[smem:$0x3FA9] =	sst s0  }
0x9: {  	[smem:$0x3FAA] =	sst s1  }
0xa: {  	[smem:$0x3FAB] =	sst s2  }
0xb: {  	[smem:$0x3FAC] =	sst s3  }
0xc: {  	[smem:$0x3FAD] =	sst s4  }
0xd: {  	[smem:$0x3FAE] =	sst s5  }
0xe: {  	[smem:$0x3FAF] =	sst s6  }
0xf: {  	[smem:$0x3FB0] =	sst s7  }
0x10: {  	[smem:$0x3FB1] =	sst s8  }
0x11: {  	[smem:$0x3FB2] =	sst s9;
	s0 =	simm.s32 @!p0 $0x0  }
0x12: {  	s1 =	sld [smem:$0x3F98];
	s0 =	simm.s32 @p0 $0x1  }
0x13: {  	[smem:$0x3FB3] =	sst s0;
	s0 =	simm.s32 @!p1 $0x0  }
0x14: {  	s2 =	sld [smem:$0x3F97];
	s0 =	simm.s32 @p1 $0x1  }
0x15: {  	[smem:$0x3FB4] =	sst s0;
	s0 =	simm.s32 @!p2 $0x0  }
0x16: {  	s3 =	sld [smem:$0x3FDB];
	s0 =	simm.s32 @p2 $0x1  }
0x17: {  	s4 =	simm.s32 $0x1BF5;
	[smem:$0x3FB6] =	sst s0  }
0x18: {  	s0 =	sld [smem:$0x3F99];
	_ =	swait.ge [sflag:s4], $0x0  }
0x19: {  	s7 =	sld [smem:$0x3F9A]  }
0x1a: {  	s8 =	sadd.s32 $0xFFFFE003, lr  }
0x1b: {  	s9 =	sadd.s32 $0xFFFFFEF7, lr;
	s5 =	simm.s32 $0xFFFFFFFF;
	p2 =	slt.u32 s8, $0xFFFFF086  }
0x1c: {  	p1 =	slt.u32 s9, $0xF7A;
	s5 =	simm.s32 @!p2 $0x0  }
0x1d: {  	s5 =	simm.s32 @p1 $0x1;
	p0 =	seq.s32 s7, s2  }
0x1e: {  	s7 =	smul.u32 @!p0 $0xF7A, s2;
	p2 =	seq.s32 @!p0 s5, $0x0  }
0x1f: {  	s9 =	smul.u32 $0xF7A, s1;
	s8 =	simm.s32 @!p0 $0x1BF5;
	p2 =	por !p2, p0  }
0x20: {  	[sflag:s8] =	ssyncset.s32 @!p0 $0xFFFFF086;
	s6 =	sadd.s32 @!p0 s3, s7;
	s7 =	simm.s32 @!p0 $0x108  }
0x21: {  	s3 =	sadd.s32 s3, s9;
	s6 =	sadd.s32 @!p0 $0x88, s6;
	s7 =	simm.s32 @p2 $0x1082  }
0x22: {  	[simem:s7], [sflag:s8] =	dma.local @!p0 [hbm:s6], $0xF7A  }
0x23: {  	s9 =	sor.u32 $0xD0000000, s2;
	s6 =	simm.s32 $0x108;
	_ =	swait.ge @!p0 [sflag:s8], $0x0  }
0x24: {  	s3 =	sadd.s32 $0x88, s3;
	s6 =	simm.s32 @!p1 $0x1082;
	[sflag:s4] =	ssyncset.s32 $0xFFFFF086  }
0x25: {  	[simem:s6], [sflag:s4] =	dma.local [hbm:s3], $0xF7A  }
0x26: {  	[smem:$0x3F9A] =	sst s1;
	(tag) =	ssettag s2;
	_ =	strace s9  }
0x27: {  	s1 =	sld [smem:$0x3FAA]  }
0x28: {  	s2 =	sld [smem:$0x3FAB]  }
0x29: {  	s4 =	sld [smem:$0x3FAD]  }
0x2a: {  	p0 =	seq.s32 s5, $0x0;
	s5 =	sld [smem:$0x3FAE]  }
0x2b: {  	s6 =	sld [smem:$0x3FAF]  }
0x2c: {  	s7 =	sld [smem:$0x3FB0]  }
0x2d: {  	s3 =	simm.s32 $0x108;
	s8 =	sld [smem:$0x3FB1]  }
0x2e: {  	s3 =	simm.s32 @!p0 $0x1082;
	s9 =	sld [smem:$0x3FB2]  }
0x2f: {  	lr =	sadd.s32 s0, s3;
	s0 =	sld [smem:$0x3FA9]  }
0x30: {  	s3 =	sld [smem:$0x3FAC]  }
0x31: {  	[smem:$0x3FB5] =	sst s10  }
0x32: {  	s10 =	sld [smem:$0x3FB3];
	_ =	sdelay $0x3  }
0x33: {  	p0 =	seq.s32 s10, $0x1;
	s10 =	sld [smem:$0x3FB5];
	_ =	sdelay $0x3  }
0x34: {  	[smem:$0x3FB5] =	sst s10  }
0x35: {  	s10 =	sld [smem:$0x3FB4];
	_ =	sdelay $0x3  }
0x36: {  	p1 =	seq.s32 s10, $0x1;
	s10 =	sld [smem:$0x3FB5];
	_ =	sdelay $0x3  }
0x37: {  	[smem:$0x3FB5] =	sst s10  }
0x38: {  	s10 =	sld [smem:$0x3FB6]  }
0x39: {  	_ = 	snop;
	(pc) =	sbr.ind lr, $3  }
0x3a: {  	_ = 	snop  }
0x3b: {  	_ = 	snop  }
0x3c: {  	p2 =	seq.s32 s10, $0x1;
	s10 =	sld [smem:$0x3FB5]  }
0x3d: {  	_ =	shalt  }
0x3e: {  	_ =	shalt  }
0x3f: {  	_ =	shalt  }
0x40: {  	_ =	shalt  }
0x41: {  	_ =	shalt  }
0x42: {  	_ =	shalt  }
0x43: {  	_ =	shalt  }
0x44: {  	_ =	shalt  }
0x45: {  	_ =	shalt  }
0x46: {  	_ =	shalt  }
0x47: {  	_ =	shalt  }
0x48: {  	_ =	shalt  }
0x49: {  	_ =	shalt  }
0x4a: {  	_ =	shalt  }
0x4b: {  	_ =	shalt  }
0x4c: {  	_ =	shalt  }
0x4d: {  	_ =	shalt  }
0x4e: {  	_ =	shalt  }
0x4f: {  	_ =	shalt  }
0x50: {  	_ =	shalt  }
0x51: {  	_ =	shalt  }
0x52: {  	_ =	shalt  }
0x53: {  	_ =	shalt  }
0x54: {  	_ =	shalt  }
0x55: {  	_ =	shalt  }
0x56: {  	_ =	shalt  }
0x57: {  	_ =	shalt  }
0x58: {  	_ =	shalt  }
0x59: {  	_ =	shalt  }
0x5a: {  	_ =	shalt  }
0x5b: {  	_ =	shalt  }
0x5c: {  	_ =	shalt  }
0x5d: {  	_ =	shalt  }
0x5e: {  	_ =	shalt  }
0x5f: {  	_ =	shalt  }
0x60: {  	_ =	shalt  }
0x61: {  	_ =	shalt  }
0x62: {  	_ =	shalt  }
0x63: {  	_ =	shalt  }
0x64: {  	_ =	shalt  }
0x65: {  	_ =	shalt  }
0x66: {  	_ =	shalt  }
0x67: {  	_ =	shalt  }
0x68: {  	_ =	shalt  }
0x69: {  	_ =	shalt  }
0x6a: {  	_ =	shalt  }
0x6b: {  	_ =	shalt  }
0x6c: {  	_ =	shalt  }
0x6d: {  	_ =	shalt  }
0x6e: {  	_ =	shalt  }
0x6f: {  	_ =	shalt  }
0x70: {  	_ =	shalt  }
0x71: {  	_ =	shalt  }
0x72: {  	_ =	shalt  }
0x73: {  	_ =	shalt  }
0x74: {  	_ =	shalt  }
0x75: {  	_ =	shalt  }
0x76: {  	_ =	shalt  }
0x77: {  	_ =	shalt  }
0x78: {  	_ =	shalt  }
0x79: {  	_ =	shalt  }
0x7a: {  	_ =	shalt  }
0x7b: {  	_ =	shalt  }
0x7c: {  	_ =	shalt  }
0x7d: {  	_ =	shalt  }
0x7e: {  	_ =	shalt  }
0x7f: {  	_ =	shalt  }
0x80: {  	_ =	shalt  }
0x81: {  	_ =	shalt  }
0x82: {  	_ =	shalt  }
0x83: {  	_ =	shalt  }
0x84: {  	_ =	shalt  }
0x85: {  	_ =	shalt  }
0x86: {  	_ =	shalt  }
0x87: {  	_ =	shalt  }
.Lfunc_end0:
.L_simem_size_0:
called_computation.1_lowered:
.L_overlay_start_0:
0x88: {  	s2 =	sld [smem:$0x3FD9]  }
0x89: {  	s3 =	sld [smem:$0x3FFE];
	_ =	sdelay $0x1  }
0x8a: {  	s1 =	srdreg.scid  }
0x8b: {  	s0 =	sand.u32 $0x1, s1  }
0x8c: {  	s17 =	sshll.u32 s0, $0xA;
	s2 =	sadd.s32 s3, s2  }
0x8d: {  	s2 =	sadd.s32 s2, s17  }
0x8e: {  	[smem:$0x3FC1] =	sst s2  }
0x8f: {  	_ = 	snop  }
0x90: {  	s18 =	sld [smem:$0x3FC9];
	(tm) =	ssettm $0x1  }
0x91: {  	s19 =	sld [smem:$0x3FFB];
	_ =	sdelay $0x3  }
0x92: {  	_ =	strace s19  }
0x93: {  	s2 =	sld [smem:$0x3FFC];
	_ =	sdelay $0x3  }
0x94: {  	_ =	strace s2  }
0x95: {  	s2 =	sld [smem:$0x3FFD];
	_ =	sdelay $0x3  }
0x96: {  	_ =	strace s2  }
0x97: {  	_ =	strace $0x8FFFFFFF  }
0x98: {  	s20 =	sld [smem:$0x3FDB];
	_ =	sdelay $0x1  }
0x99: {  	s4 =	simm.s32 $_scs_section_size  }
0x9a: {  	s5 =	simm.s32 $_size__tile_overlayer_lowered;
	s6 =	simm.s32 $_tile_overlayer_lowered  }
0x9b: {  	s7 =	simm.s32 $0x1BFF;
	s21 =	sshll.u32 s6, $0x1;
	s4 =	sadd.s32 s4, s20  }
0x9c: {  	s22 =	simm.s32 $0x0;
	s5 =	sshll.u32 s5, $0x1;
	s6 =	sadd.s32 s21, s4  }
0x9d: {  	[timem:s22], [sflag:s7] =	dma.local [hbm:s6], s5  }
0x9e: {  	_ =	swait.ge [sflag:s7], s5  }
0x9f: {  	s5 =	ssub.s32 $0x0, s5;
	[sflag:s7] =	ssyncset.done $0x0  }
0xa0: {  	[sflag:s7] =	ssyncadd.s32 s5;
	_ =	sdelay $0x1  }
0xa1: {  	s23 =	simm.s32 $0x1B8B  }
0xa2: {  	_ =	swait.ge [sflag:s23], $0x1  }
0xa3: {  	[sflag:s23] =	ssyncset.done $0x0  }
0xa4: {  	[sflag:s23] =	ssyncadd.s32 $0xFFFFFFFF  }
0xa5: {  	s5 =	sld [smem:$0x0]  }
0xa6: {  	s6 =	sand.u32 $0xFFFFFFFE, s1  }
0xa7: {  	p0 =	sne.s32 s1, s6  }
0xa8: {  	s6 =	sshll.u32 @p0 s6, $0xE  }
0xa9: {  	s6 =	sadd.s32 @p0 $0x11B8D, s6;
	s7 =	sshll.u32 @p0 s5, $0x11  }
0xaa: {  	s6 =	sor.u32 @p0 s7, s6  }
0xab: {  	[sflag:s6] =	ssyncadd.remote.s32 @p0 $0x1;
	_ =	sdelay $0x1  }
0xac: {  	s6 =	simm.s32 @p0 $0x1B8D  }
0xad: {  	_ =	swait.eq @p0 [sflag:s6], $0x1  }
0xae: {  	[sflag:s6] =	ssyncadd.s32 @p0 $0xFFFFFFFF  }
0xaf: {  	s7 =	sshll.u32 @!p0 s1, $0xE  }
0xb0: {  	s7 =	sor.u32 @!p0 $0x4000, s7;
	s6 =	simm.s32 @!p0 $0x1B8D  }
0xb1: {  	s5 =	sshll.u32 @!p0 s5, $0x11;
	s7 =	sadd.s32 @!p0 $0x11B8D, s7;
	_ =	swait.eq @!p0 [sflag:s6], $0x1  }
0xb2: {  	s5 =	sor.u32 @!p0 s5, s7;
	[sflag:s6] =	ssyncadd.s32 @!p0 $0xFFFFFFFF  }
0xb3: {  	s25 =	simm.s32 $0x1B8E;
	s24 =	sld [smem:$0x3FFE];
	[sflag:s5] =	ssyncadd.remote.s32 @!p0 $0x1  }
0xb4: {  	s26 =	simm.s32 $execute0_lowered;
	[smem:$0x3FD2] =	sst s25  }
0xb5: {  	s6 =	sshll.u32 s26, $0x1;
	_ =	strace $0x80000049;
	[dreg:$0x1] =	wrdreg $0xFFFFFFFF  }
0xb6: {  	s28 =	simm.s32 $_size_execute0_lowered;
	s4 =	sadd.s32 s4, s6;
	[dreg:$0x0] =	wrdreg $0x0  }
0xb7: {  	s6 =	sshll.u32 s28, $0x1;
	[dreg:$0x2] =	wrdreg s4  }
0xb8: {  	[dreg:$0x3] =	wrdreg s6  }
0xb9: {  	[dreg:$0x4] =	wrdreg $0xC0  }
0xba: {  	_ =	task [dreg:s22], $0x5FFFF  }
0xbb: {  	[dreg:$0x1] =	wrdreg $0xFFFFFFFF  }
0xbc: {  	[dreg:$0x0] =	wrdreg $0x60  }
0xbd: {  	[dreg:$0x2] =	wrdreg s18  }
0xbe: {  	[dreg:$0x3] =	wrdreg s24  }
0xbf: {  	[dreg:$0x4] =	wrdreg $0xA  }
0xc0: {  	_ =	task.clear_ibuf [dreg:s22], $0x5FFFF;
	_ =	strace $0x90000049  }
0xc1: {  	s29 =	simm.s32 $0xA;
	_ =	strace $0x8000004B  }
0xc2: {  	_ =	swait.ge [sflag:s29], $0x1  }
0xc3: {  	[sflag:s29] =	ssyncadd.s32 $0xFFFFFFFF  }
0xc4: {  	_ =	strace $0x9000004B  }
0xc5: {  	_ =	sfence  }
0xc6: {  	s30 =	sld [smem:$0x0];
	_ =	sdelay $0x2  }
0xc7: {  	s31 =	sshll.u32 s1, $0xD;
	s1 =	sshrl.u32 s1, $0x2  }
0xc8: {  	s4 =	sand.u32 $0x4000, s31;
	s1 =	sadd.s32 s1, s30  }
0xc9: {  	s0 =	sor.u32 s4, s0;
	s1 =	sshll.u32 s1, $0x11  }
0xca: {  	s0 =	sor.u32 s1, s0  }
0xcb: {  	s0 =	sadd.s32 $0x8F2B, s0  }
0xcc: {  	[sflag:s0] =	ssyncadd.remote.s32 $0x1  }
0xcd: {  	_ =	sfence.sel $0xFFFF  }
0xce: {  	[dreg:$0x0] =	wrdreg $0xFFFFFFFF;
	(pc) =	sbr.abs _section_cstart, $3  }
0xcf: {  	[dreg:$0x1] =	wrdreg $0xFFFFFFFF  }
0xd0: {  	_ =	task.clear_ibuf [dreg:s22], $0x2FFFF;
	_ =	strace $0x9FFFFFFF  }
0xd1: {  	(tm) =	ssettm $0x7FFFFFFF  }
tec
execute0_lowered:
.L_overlay_start_1:
0x0: {  	(tag) =	ssettag $0x1  }
0x1: {  	s1 =	srdreg.scid;
	s0 =	stileid.u32  }
0x2: {  	s2 =	rddreg [dreg:$0x0];
	s1 =	sand.u32 $0x1, s1;
	s3 =	sshll.u32 s0, $0x1  }
0x3: {  	s5 =	rddreg [dreg:$0x1];
	s4 =	sor.u32 s1, s3;
	s3 =	simm.s32 $0x0  }
0x4: {  	s25 =	simm.s32 $0x980;
	[smem:$0x7FF] =	sst s3  }
0x5: {  	s26 =	simm.s32 $0x1180;
	_ =	strace $0x8000004A;
	[dreg:$0x5] =	wrdreg s25  }
0x6: {  	s0 =	simm.s32 $0x1980;
	[dreg:$0x6] =	wrdreg s26  }
0x7: {  	s7 =	simm.s32 $0x3180;
	[dreg:$0x7] =	wrdreg s0  }
0x8: {  	s8 =	simm.s32 $0x3980;
	[dreg:$0xa] =	wrdreg s7  }
0x9: {  	s9 =	simm.s32 $0x4180;
	[dreg:$0xb] =	wrdreg s8  }
0xa: {  	s10 =	simm.s32 $0x4980;
	[dreg:$0xc] =	wrdreg s9  }
0xb: {  	s11 =	simm.s32 $0x5180;
	[dreg:$0xd] =	wrdreg s10  }
0xc: {  	s12 =	simm.s32 $0x5980;
	[dreg:$0xe] =	wrdreg s11  }
0xd: {  	s13 =	simm.s32 $0x6180;
	[dreg:$0xf] =	wrdreg s12  }
0xe: {  	s14 =	simm.s32 $0x6980;
	[dreg:$0x10] =	wrdreg s13  }
0xf: {  	s15 =	simm.s32 $0x7180;
	[dreg:$0x11] =	wrdreg s14  }
0x10: {  	s16 =	simm.s32 $0x7980;
	s17 =	simm.s32 $0x8180;
	[dreg:$0x12] =	wrdreg s15  }
0x11: {  	s18 =	simm.s32 $0x8980;
	s19 =	simm.s32 $0x9180;
	[dreg:$0x13] =	wrdreg s16  }
0x12: {  	s20 =	simm.s32 $0x9980;
	s21 =	simm.s32 $0xA180;
	[dreg:$0x14] =	wrdreg s17  }
0x13: {  	s23 =	simm.s32 $0xA980;
	s28 =	simm.s32 $0x16980;
	[dreg:$0x15] =	wrdreg s18  }
0x14: {  	s29 =	simm.s32 $0x17180;
	s30 =	simm.s32 $0x17980;
	[dreg:$0x16] =	wrdreg s19  }
0x15: {  	s31 =	simm.s32 $0x1;
	s1 =	ssub.s32 $0x2, s1;
	[dreg:$0x17] =	wrdreg s20  }
0x16: {  	s6 =	smul.u32 $0x30, s4;
	s22 =	sshrl.u32 s1, $0x1;
	[dreg:$0x18] =	wrdreg s21  }
0x17: {  	s4 =	smul.u32 $0x3000, s4;
	s1 =	ssub.s32 s1, s22;
	[dreg:$0x19] =	wrdreg s23  }
0x18: {  	s25 =	simm.s32 $0xB980;
	s26 =	simm.s32 $0xC180;
	s8 =	simm.s32 $0xD180  }
0x19: {  	s9 =	simm.s32 $0xD980;
	s10 =	simm.s32 $0xE180;
	s11 =	simm.s32 $0xE980  }
0x1a: {  	s12 =	simm.s32 $0xF180;
	s13 =	simm.s32 $0xF980;
	s14 =	simm.s32 $0x10180  }
0x1b: {  	s15 =	simm.s32 $0x10980;
	s16 =	simm.s32 $0x11180;
	s17 =	simm.s32 $0x11980  }
0x1c: {  	s18 =	simm.s32 $0x12180;
	s19 =	simm.s32 $0x12980;
	s20 =	simm.s32 $0x13180  }
0x1d: {  	s21 =	simm.s32 $0x13980;
	s6 =	sadd.s32 s6, s5;
	[dreg:$0x1b] =	wrdreg s25  }
0x1e: {  	s4 =	sadd.s32 s4, s5;
	s5 =	simm.s32 $0x2180;
	[dreg:$0x1c] =	wrdreg s26  }
0x1f: {  	s22 =	simm.s32 $0x14180;
	s24 =	sadd.s32 $0x71A00, s6;
	[dreg:$0x8] =	wrdreg s5  }
0x20: {  	s23 =	simm.s32 $0x14980;
	s4 =	sadd.s32 $0x72000, s4;
	[dreg:$0x3] =	wrdreg s24  }
0x21: {  	s25 =	simm.s32 $0x15980;
	s6 =	simm.s32 $0x2980;
	[dreg:$0x4] =	wrdreg s4  }
0x22: {  	v2 =	vlaneseq.u32;
	s26 =	simm.s32 $0x16180;
	s5 =	simm.s32 $0x3;
	[dreg:$0x9] =	wrdreg s6  }
0x23: {  	vm0 =	vmmov $0xffff;
	v1 =	vshrl.u32 v2, $0x3;
	s24 =	simm.s32 $0xB180;
	s4 =	smax.u32 s1, $0x1;
	s6 =	simm.s32 $0x180  }
0x24: {  	v0 =	vand.u32 $0x7, v2;
	v2 =	vor.u32 $0x8, v2;
	v1 =	vmul.u32 $0x8, v1;
	s1 =	simm.s32 $0x2;
	[dreg:$0x1a] =	wrdreg s24;
	s24 =	simm.s32 $0x15180  }
.LBB2_1:
0x25: {  	s0 =	rddreg [dreg:$0x3]  }
0x26: {  	[tilespmem:s3], [sflag:$0x3] =	stream.linear.gather [hbm4b:s0+s3], $0x180, $0x38;
	[tilespmem:$0x18180] =	vst v63  }
0x27: {  	_ =	swait.ge [sflag:s5], $0x180  }
0x28: {  	[sflag:s5] =	ssyncset.done $0x0  }
0x29: {  	[sflag:s5] =	ssyncadd.s32 $0xFFFFFE80  }
0x2a: {  	v3 =	vld [tilespmem:$0x0];
	_ =	sdelay $0x4  }
0x2b: {  	v4 =	vshll.u32 v3, $0x1  }
0x2c: {  	v3 =	vand.u32 $0x7, v3;
	v4 =	vand.u32 $0xFFFFFFF0, v4  }
0x2d: {  	v3 =	vor.u32 v3, v4  }
0x2e: {  	v4 =	vperm.xlane v3, v0;
	_ =	sdelay $0x1  }
0x2f: {  	v3 =	vperm.xlane v3, v2;
	v4 =	vadd.s32 v1, v4;
	_ =	sdelay $0x1  }
0x30: {  	v3 =	vadd.s32 v1, v3;
	_ =	sdelay $0x2  }
0x31: {  	[tilespmem:s6], [sflag:$0x1] =	stream.indirect_vreg.gather [hbm4b:s2+s3], $0x80, v4, vm0, $0xb8;
	[tilespmem:$0x18180] =	vst v63  }
0x32: {  	s7 =	rddreg [dreg:$0x5]  }
0x33: {  	[tilespmem:s7], [sflag:$0x1] =	stream.indirect_vreg.gather [hbm4b:s2+s3], $0x80, v3, vm0, $0xb8;
	[tilespmem:$0x18180] =	vst v63  }
0x34: {  	v3 =	vld [tilespmem:$0x10];
	_ =	sdelay $0x4  }
0x35: {  	v41 =	vshll.u32 v3, $0x1  }
0x36: {  	v3 =	vand.u32 $0x7, v3;
	v4 =	vand.u32 $0xFFFFFFF0, v41  }
0x37: {  	v3 =	vor.u32 v3, v4  }
0x38: {  	v4 =	vperm.xlane v3, v0;
	_ =	sdelay $0x1  }
0x39: {  	v3 =	vperm.xlane v3, v2;
	v4 =	vadd.s32 v1, v4;
	_ =	sdelay $0x1  }
0x3a: {  	v3 =	vadd.s32 v1, v3;
	_ =	sdelay $0x1  }
0x3b: {  	s0 =	rddreg [dreg:$0x6]  }
0x3c: {  	[tilespmem:s0], [sflag:$0x1] =	stream.indirect_vreg.gather [hbm4b:s2+s3], $0x80, v4, vm0, $0xb8;
	[tilespmem:$0x18180] =	vst v63  }
0x3d: {  	s7 =	rddreg [dreg:$0x7]  }
0x3e: {  	[tilespmem:s7], [sflag:$0x1] =	stream.indirect_vreg.gather [hbm4b:s2+s3], $0x80, v3, vm0, $0xb8;
	[tilespmem:$0x18180] =	vst v63  }
0x3f: {  	v3 =	vld [tilespmem:$0x20];
	_ =	sdelay $0x4  }
0x40: {  	v42 =	vshll.u32 v3, $0x1  }
0x41: {  	v3 =	vand.u32 $0x7, v3;
	v4 =	vand.u32 $0xFFFFFFF0, v42  }
0x42: {  	v3 =	vor.u32 v3, v4  }
0x43: {  	v4 =	vperm.xlane v3, v0;
	_ =	sdelay $0x1  }
0x44: {  	v3 =	vperm.xlane v3, v2;
	v4 =	vadd.s32 v1, v4;
	_ =	sdelay $0x1  }
0x45: {  	v3 =	vadd.s32 v1, v3;
	_ =	sdelay $0x1  }
0x46: {  	s0 =	rddreg [dreg:$0x8]  }
0x47: {  	[tilespmem:s0], [sflag:$0x1] =	stream.indirect_vreg.gather [hbm4b:s2+s3], $0x80, v4, vm0, $0xb8;
	[tilespmem:$0x18180] =	vst v63  }
0x48: {  	s7 =	rddreg [dreg:$0x9]  }
0x49: {  	[tilespmem:s7], [sflag:$0x1] =	stream.indirect_vreg.gather [hbm4b:s2+s3], $0x80, v3, vm0, $0xb8;
	[tilespmem:$0x18180] =	vst v63  }
0x4a: {  	v3 =	vld [tilespmem:$0x30];
	_ =	sdelay $0x4  }
0x4b: {  	v43 =	vshll.u32 v3, $0x1  }
0x4c: {  	v3 =	vand.u32 $0x7, v3;
	v4 =	vand.u32 $0xFFFFFFF0, v43  }
0x4d: {  	v3 =	vor.u32 v3, v4  }
0x4e: {  	v4 =	vperm.xlane v3, v0;
	_ =	sdelay $0x1  }
0x4f: {  	v3 =	vperm.xlane v3, v2;
	v4 =	vadd.s32 v1, v4;
	_ =	sdelay $0x1  }
0x50: {  	v3 =	vadd.s32 v1, v3;
	_ =	sdelay $0x1  }
0x51: {  	s0 =	rddreg [dreg:$0xa]  }
0x52: {  	[tilespmem:s0], [sflag:$0x1] =	stream.indirect_vreg.gather [hbm4b:s2+s3], $0x80, v4, vm0, $0xb8;
	[tilespmem:$0x18180] =	vst v63  }
0x53: {  	s7 =	rddreg [dreg:$0xb]  }
0x54: {  	[tilespmem:s7], [sflag:$0x1] =	stream.indirect_vreg.gather [hbm4b:s2+s3], $0x80, v3, vm0, $0xb8;
	[tilespmem:$0x18180] =	vst v63  }
0x55: {  	v3 =	vld [tilespmem:$0x40];
	_ =	sdelay $0x4  }
0x56: {  	v44 =	vshll.u32 v3, $0x1  }
0x57: {  	v3 =	vand.u32 $0x7, v3;
	v4 =	vand.u32 $0xFFFFFFF0, v44  }
0x58: {  	v3 =	vor.u32 v3, v4  }
0x59: {  	v4 =	vperm.xlane v3, v0;
	_ =	sdelay $0x1  }
0x5a: {  	v3 =	vperm.xlane v3, v2;
	v4 =	vadd.s32 v1, v4;
	_ =	sdelay $0x1  }
0x5b: {  	v3 =	vadd.s32 v1, v3;
	_ =	sdelay $0x1  }
0x5c: {  	s0 =	rddreg [dreg:$0xc]  }
0x5d: {  	[tilespmem:s0], [sflag:$0x1] =	stream.indirect_vreg.gather [hbm4b:s2+s3], $0x80, v4, vm0, $0xb8;
	[tilespmem:$0x18180] =	vst v63  }
0x5e: {  	s7 =	rddreg [dreg:$0xd]  }
0x5f: {  	[tilespmem:s7], [sflag:$0x1] =	stream.indirect_vreg.gather [hbm4b:s2+s3], $0x80, v3, vm0, $0xb8;
	[tilespmem:$0x18180] =	vst v63  }
0x60: {  	v3 =	vld [tilespmem:$0x50];
	_ =	sdelay $0x4  }
0x61: {  	v45 =	vshll.u32 v3, $0x1  }
0x62: {  	v3 =	vand.u32 $0x7, v3;
	v4 =	vand.u32 $0xFFFFFFF0, v45  }
0x63: {  	v3 =	vor.u32 v3, v4  }
0x64: {  	v4 =	vperm.xlane v3, v0;
	_ =	sdelay $0x1  }
0x65: {  	v3 =	vperm.xlane v3, v2;
	v4 =	vadd.s32 v1, v4;
	_ =	sdelay $0x1  }
0x66: {  	v3 =	vadd.s32 v1, v3;
	_ =	sdelay $0x1  }
0x67: {  	s0 =	rddreg [dreg:$0xe]  }
0x68: {  	[tilespmem:s0], [sflag:$0x1] =	stream.indirect_vreg.gather [hbm4b:s2+s3], $0x80, v4, vm0, $0xb8;
	[tilespmem:$0x18180] =	vst v63  }
0x69: {  	s7 =	rddreg [dreg:$0xf]  }
0x6a: {  	[tilespmem:s7], [sflag:$0x1] =	stream.indirect_vreg.gather [hbm4b:s2+s3], $0x80, v3, vm0, $0xb8;
	[tilespmem:$0x18180] =	vst v63  }
0x6b: {  	v3 =	vld [tilespmem:$0x60];
	_ =	sdelay $0x4  }
0x6c: {  	v46 =	vshll.u32 v3, $0x1  }
0x6d: {  	v3 =	vand.u32 $0x7, v3;
	v4 =	vand.u32 $0xFFFFFFF0, v46  }
0x6e: {  	v3 =	vor.u32 v3, v4  }
0x6f: {  	v4 =	vperm.xlane v3, v0;
	_ =	sdelay $0x1  }
0x70: {  	v3 =	vperm.xlane v3, v2;
	v4 =	vadd.s32 v1, v4;
	_ =	sdelay $0x1  }
0x71: {  	v3 =	vadd.s32 v1, v3;
	_ =	sdelay $0x1  }
0x72: {  	s0 =	rddreg [dreg:$0x10]  }
0x73: {  	[tilespmem:s0], [sflag:$0x1] =	stream.indirect_vreg.gather [hbm4b:s2+s3], $0x80, v4, vm0, $0xb8;
	[tilespmem:$0x18180] =	vst v63  }
0x74: {  	s7 =	rddreg [dreg:$0x11]  }
0x75: {  	[tilespmem:s7], [sflag:$0x1] =	stream.indirect_vreg.gather [hbm4b:s2+s3], $0x80, v3, vm0, $0xb8;
	[tilespmem:$0x18180] =	vst v63  }
0x76: {  	v3 =	vld [tilespmem:$0x70];
	_ =	sdelay $0x4  }
0x77: {  	v47 =	vshll.u32 v3, $0x1  }
0x78: {  	v3 =	vand.u32 $0x7, v3;
	v4 =	vand.u32 $0xFFFFFFF0, v47  }
0x79: {  	v3 =	vor.u32 v3, v4  }
0x7a: {  	v4 =	vperm.xlane v3, v0;
	_ =	sdelay $0x1  }
0x7b: {  	v3 =	vperm.xlane v3, v2;
	v4 =	vadd.s32 v1, v4;
	_ =	sdelay $0x1  }
0x7c: {  	v3 =	vadd.s32 v1, v3;
	_ =	sdelay $0x1  }
0x7d: {  	s0 =	rddreg [dreg:$0x12]  }
0x7e: {  	[tilespmem:s0], [sflag:$0x1] =	stream.indirect_vreg.gather [hbm4b:s2+s3], $0x80, v4, vm0, $0xb8;
	[tilespmem:$0x18180] =	vst v63  }
0x7f: {  	s7 =	rddreg [dreg:$0x13]  }
0x80: {  	[tilespmem:s7], [sflag:$0x1] =	stream.indirect_vreg.gather [hbm4b:s2+s3], $0x80, v3, vm0, $0xb8;
	[tilespmem:$0x18180] =	vst v63  }
0x81: {  	v3 =	vld [tilespmem:$0x80];
	_ =	sdelay $0x4  }
0x82: {  	v48 =	vshll.u32 v3, $0x1  }
0x83: {  	v3 =	vand.u32 $0x7, v3;
	v4 =	vand.u32 $0xFFFFFFF0, v48  }
0x84: {  	v3 =	vor.u32 v3, v4  }
0x85: {  	v4 =	vperm.xlane v3, v0;
	_ =	sdelay $0x1  }
0x86: {  	v3 =	vperm.xlane v3, v2;
	v4 =	vadd.s32 v1, v4;
	_ =	sdelay $0x1  }
0x87: {  	v3 =	vadd.s32 v1, v3;
	_ =	sdelay $0x1  }
0x88: {  	s0 =	rddreg [dreg:$0x14]  }
0x89: {  	[tilespmem:s0], [sflag:$0x1] =	stream.indirect_vreg.gather [hbm4b:s2+s3], $0x80, v4, vm0, $0xb8;
	[tilespmem:$0x18180] =	vst v63  }
0x8a: {  	s7 =	rddreg [dreg:$0x15]  }
0x8b: {  	[tilespmem:s7], [sflag:$0x1] =	stream.indirect_vreg.gather [hbm4b:s2+s3], $0x80, v3, vm0, $0xb8;
	[tilespmem:$0x18180] =	vst v63  }
0x8c: {  	v3 =	vld [tilespmem:$0x90];
	_ =	sdelay $0x4  }
0x8d: {  	v49 =	vshll.u32 v3, $0x1  }
0x8e: {  	v3 =	vand.u32 $0x7, v3;
	v4 =	vand.u32 $0xFFFFFFF0, v49  }
0x8f: {  	v3 =	vor.u32 v3, v4  }
0x90: {  	v4 =	vperm.xlane v3, v0;
	_ =	sdelay $0x1  }
0x91: {  	v3 =	vperm.xlane v3, v2;
	v4 =	vadd.s32 v1, v4;
	_ =	sdelay $0x1  }
0x92: {  	v3 =	vadd.s32 v1, v3;
	_ =	sdelay $0x1  }
0x93: {  	s0 =	rddreg [dreg:$0x16]  }
0x94: {  	[tilespmem:s0], [sflag:$0x1] =	stream.indirect_vreg.gather [hbm4b:s2+s3], $0x80, v4, vm0, $0xb8;
	[tilespmem:$0x18180] =	vst v63  }
0x95: {  	s7 =	rddreg [dreg:$0x17]  }
0x96: {  	[tilespmem:s7], [sflag:$0x1] =	stream.indirect_vreg.gather [hbm4b:s2+s3], $0x80, v3, vm0, $0xb8;
	[tilespmem:$0x18180] =	vst v63  }
0x97: {  	v3 =	vld [tilespmem:$0xA0];
	_ =	sdelay $0x4  }
0x98: {  	v50 =	vshll.u32 v3, $0x1  }
0x99: {  	v3 =	vand.u32 $0x7, v3;
	v4 =	vand.u32 $0xFFFFFFF0, v50  }
0x9a: {  	v3 =	vor.u32 v3, v4  }
0x9b: {  	v4 =	vperm.xlane v3, v0;
	_ =	sdelay $0x1  }
0x9c: {  	v3 =	vperm.xlane v3, v2;
	v4 =	vadd.s32 v1, v4;
	_ =	sdelay $0x1  }
0x9d: {  	v3 =	vadd.s32 v1, v3;
	_ =	sdelay $0x1  }
0x9e: {  	s0 =	rddreg [dreg:$0x18]  }
0x9f: {  	[tilespmem:s0], [sflag:$0x1] =	stream.indirect_vreg.gather [hbm4b:s2+s3], $0x80, v4, vm0, $0xb8;
	[tilespmem:$0x18180] =	vst v63  }
0xa0: {  	s7 =	rddreg [dreg:$0x19]  }
0xa1: {  	[tilespmem:s7], [sflag:$0x1] =	stream.indirect_vreg.gather [hbm4b:s2+s3], $0x80, v3, vm0, $0xb8;
	[tilespmem:$0x18180] =	vst v63  }
0xa2: {  	v3 =	vld [tilespmem:$0xB0];
	_ =	sdelay $0x4  }
0xa3: {  	v51 =	vshll.u32 v3, $0x1  }
0xa4: {  	v3 =	vand.u32 $0x7, v3;
	v4 =	vand.u32 $0xFFFFFFF0, v51  }
0xa5: {  	v3 =	vor.u32 v3, v4  }
0xa6: {  	v4 =	vperm.xlane v3, v0;
	_ =	sdelay $0x1  }
0xa7: {  	v3 =	vperm.xlane v3, v2;
	v4 =	vadd.s32 v1, v4;
	_ =	sdelay $0x1  }
0xa8: {  	v3 =	vadd.s32 v1, v3;
	_ =	sdelay $0x1  }
0xa9: {  	s0 =	rddreg [dreg:$0x1a]  }
0xaa: {  	[tilespmem:s0], [sflag:$0x1] =	stream.indirect_vreg.gather [hbm4b:s2+s3], $0x80, v4, vm0, $0xb8;
	[tilespmem:$0x18180] =	vst v63  }
0xab: {  	s7 =	rddreg [dreg:$0x1b]  }
0xac: {  	[tilespmem:s7], [sflag:$0x1] =	stream.indirect_vreg.gather [hbm4b:s2+s3], $0x80, v3, vm0, $0xb8;
	[tilespmem:$0x18180] =	vst v63  }
0xad: {  	v3 =	vld [tilespmem:$0xC0];
	_ =	sdelay $0x4  }
0xae: {  	v52 =	vshll.u32 v3, $0x1  }
0xaf: {  	v3 =	vand.u32 $0x7, v3;
	v4 =	vand.u32 $0xFFFFFFF0, v52  }
0xb0: {  	v3 =	vor.u32 v3, v4  }
0xb1: {  	v4 =	vperm.xlane v3, v0;
	_ =	sdelay $0x1  }
0xb2: {  	v3 =	vperm.xlane v3, v2;
	v4 =	vadd.s32 v1, v4;
	_ =	sdelay $0x1  }
0xb3: {  	v3 =	vadd.s32 v1, v3;
	_ =	sdelay $0x1  }
0xb4: {  	s7 =	rddreg [dreg:$0x1c]  }
0xb5: {  	[tilespmem:s7], [sflag:$0x1] =	stream.indirect_vreg.gather [hbm4b:s2+s3], $0x80, v4, vm0, $0xb8;
	[tilespmem:$0x18180] =	vst v63  }
0xb6: {  	s7 =	simm.s32 $0xC980  }
0xb7: {  	[tilespmem:s7], [sflag:$0x1] =	stream.indirect_vreg.gather [hbm4b:s2+s3], $0x80, v3, vm0, $0xb8;
	[tilespmem:$0x18180] =	vst v63  }
0xb8: {  	v3 =	vld [tilespmem:$0xD0];
	_ =	sdelay $0x4  }
0xb9: {  	v53 =	vshll.u32 v3, $0x1  }
0xba: {  	v3 =	vand.u32 $0x7, v3;
	v4 =	vand.u32 $0xFFFFFFF0, v53  }
0xbb: {  	v3 =	vor.u32 v3, v4  }
0xbc: {  	v4 =	vperm.xlane v3, v0;
	_ =	sdelay $0x1  }
0xbd: {  	v3 =	vperm.xlane v3, v2;
	v4 =	vadd.s32 v1, v4;
	_ =	sdelay $0x1  }
0xbe: {  	v3 =	vadd.s32 v1, v3;
	_ =	sdelay $0x2  }
0xbf: {  	[tilespmem:s8], [sflag:$0x1] =	stream.indirect_vreg.gather [hbm4b:s2+s3], $0x80, v4, vm0, $0xb8;
	[tilespmem:$0x18180] =	vst v63  }
0xc0: {  	_ = 	snop  }
0xc1: {  	[tilespmem:s9], [sflag:$0x1] =	stream.indirect_vreg.gather [hbm4b:s2+s3], $0x80, v3, vm0, $0xb8;
	[tilespmem:$0x18180] =	vst v63  }
0xc2: {  	v3 =	vld [tilespmem:$0xE0];
	_ =	sdelay $0x4  }
0xc3: {  	v54 =	vshll.u32 v3, $0x1  }
0xc4: {  	v3 =	vand.u32 $0x7, v3;
	v4 =	vand.u32 $0xFFFFFFF0, v54  }
0xc5: {  	v3 =	vor.u32 v3, v4  }
0xc6: {  	v4 =	vperm.xlane v3, v0;
	_ =	sdelay $0x1  }
0xc7: {  	v3 =	vperm.xlane v3, v2;
	v4 =	vadd.s32 v1, v4;
	_ =	sdelay $0x1  }
0xc8: {  	v3 =	vadd.s32 v1, v3;
	_ =	sdelay $0x2  }
0xc9: {  	[tilespmem:s10], [sflag:$0x1] =	stream.indirect_vreg.gather [hbm4b:s2+s3], $0x80, v4, vm0, $0xb8;
	[tilespmem:$0x18180] =	vst v63  }
0xca: {  	_ = 	snop  }
0xcb: {  	[tilespmem:s11], [sflag:$0x1] =	stream.indirect_vreg.gather [hbm4b:s2+s3], $0x80, v3, vm0, $0xb8;
	[tilespmem:$0x18180] =	vst v63  }
0xcc: {  	v3 =	vld [tilespmem:$0xF0];
	_ =	sdelay $0x4  }
0xcd: {  	v55 =	vshll.u32 v3, $0x1  }
0xce: {  	v3 =	vand.u32 $0x7, v3;
	v4 =	vand.u32 $0xFFFFFFF0, v55  }
0xcf: {  	v3 =	vor.u32 v3, v4  }
0xd0: {  	v4 =	vperm.xlane v3, v0;
	_ =	sdelay $0x1  }
0xd1: {  	v3 =	vperm.xlane v3, v2;
	v4 =	vadd.s32 v1, v4;
	_ =	sdelay $0x1  }
0xd2: {  	v3 =	vadd.s32 v1, v3;
	_ =	sdelay $0x2  }
0xd3: {  	[tilespmem:s12], [sflag:$0x1] =	stream.indirect_vreg.gather [hbm4b:s2+s3], $0x80, v4, vm0, $0xb8;
	[tilespmem:$0x18180] =	vst v63  }
0xd4: {  	_ = 	snop  }
0xd5: {  	[tilespmem:s13], [sflag:$0x1] =	stream.indirect_vreg.gather [hbm4b:s2+s3], $0x80, v3, vm0, $0xb8;
	[tilespmem:$0x18180] =	vst v63  }
0xd6: {  	v3 =	vld [tilespmem:$0x100];
	_ =	sdelay $0x4  }
0xd7: {  	v56 =	vshll.u32 v3, $0x1  }
0xd8: {  	v3 =	vand.u32 $0x7, v3;
	v4 =	vand.u32 $0xFFFFFFF0, v56  }
0xd9: {  	v3 =	vor.u32 v3, v4  }
0xda: {  	v4 =	vperm.xlane v3, v0;
	_ =	sdelay $0x1  }
0xdb: {  	v3 =	vperm.xlane v3, v2;
	v4 =	vadd.s32 v1, v4;
	_ =	sdelay $0x1  }
0xdc: {  	v3 =	vadd.s32 v1, v3;
	_ =	sdelay $0x2  }
0xdd: {  	[tilespmem:s14], [sflag:$0x1] =	stream.indirect_vreg.gather [hbm4b:s2+s3], $0x80, v4, vm0, $0xb8;
	[tilespmem:$0x18180] =	vst v63  }
0xde: {  	_ = 	snop  }
0xdf: {  	[tilespmem:s15], [sflag:$0x1] =	stream.indirect_vreg.gather [hbm4b:s2+s3], $0x80, v3, vm0, $0xb8;
	[tilespmem:$0x18180] =	vst v63  }
0xe0: {  	v3 =	vld [tilespmem:$0x110];
	_ =	sdelay $0x4  }
0xe1: {  	v57 =	vshll.u32 v3, $0x1  }
0xe2: {  	v3 =	vand.u32 $0x7, v3;
	v4 =	vand.u32 $0xFFFFFFF0, v57  }
0xe3: {  	v3 =	vor.u32 v3, v4  }
0xe4: {  	v4 =	vperm.xlane v3, v0;
	_ =	sdelay $0x1  }
0xe5: {  	v3 =	vperm.xlane v3, v2;
	v4 =	vadd.s32 v1, v4;
	_ =	sdelay $0x1  }
0xe6: {  	v3 =	vadd.s32 v1, v3;
	_ =	sdelay $0x2  }
0xe7: {  	[tilespmem:s16], [sflag:$0x1] =	stream.indirect_vreg.gather [hbm4b:s2+s3], $0x80, v4, vm0, $0xb8;
	[tilespmem:$0x18180] =	vst v63  }
0xe8: {  	_ = 	snop  }
0xe9: {  	[tilespmem:s17], [sflag:$0x1] =	stream.indirect_vreg.gather [hbm4b:s2+s3], $0x80, v3, vm0, $0xb8;
	[tilespmem:$0x18180] =	vst v63  }
0xea: {  	v3 =	vld [tilespmem:$0x120];
	_ =	sdelay $0x4  }
0xeb: {  	v58 =	vshll.u32 v3, $0x1  }
0xec: {  	v3 =	vand.u32 $0x7, v3;
	v4 =	vand.u32 $0xFFFFFFF0, v58  }
0xed: {  	v3 =	vor.u32 v3, v4  }
0xee: {  	v4 =	vperm.xlane v3, v0;
	_ =	sdelay $0x1  }
0xef: {  	v3 =	vperm.xlane v3, v2;
	v4 =	vadd.s32 v1, v4;
	_ =	sdelay $0x1  }
0xf0: {  	v3 =	vadd.s32 v1, v3;
	_ =	sdelay $0x2  }
0xf1: {  	[tilespmem:s18], [sflag:$0x1] =	stream.indirect_vreg.gather [hbm4b:s2+s3], $0x80, v4, vm0, $0xb8;
	[tilespmem:$0x18180] =	vst v63  }
0xf2: {  	_ = 	snop  }
0xf3: {  	[tilespmem:s19], [sflag:$0x1] =	stream.indirect_vreg.gather [hbm4b:s2+s3], $0x80, v3, vm0, $0xb8;
	[tilespmem:$0x18180] =	vst v63  }
0xf4: {  	v3 =	vld [tilespmem:$0x130];
	_ =	sdelay $0x4  }
0xf5: {  	v59 =	vshll.u32 v3, $0x1  }
0xf6: {  	v3 =	vand.u32 $0x7, v3;
	v4 =	vand.u32 $0xFFFFFFF0, v59  }
0xf7: {  	v3 =	vor.u32 v3, v4  }
0xf8: {  	v4 =	vperm.xlane v3, v0;
	_ =	sdelay $0x1  }
0xf9: {  	v3 =	vperm.xlane v3, v2;
	v4 =	vadd.s32 v1, v4;
	_ =	sdelay $0x1  }
0xfa: {  	v3 =	vadd.s32 v1, v3;
	_ =	sdelay $0x2  }
0xfb: {  	[tilespmem:s20], [sflag:$0x1] =	stream.indirect_vreg.gather [hbm4b:s2+s3], $0x80, v4, vm0, $0xb8;
	[tilespmem:$0x18180] =	vst v63  }
0xfc: {  	_ = 	snop  }
0xfd: {  	[tilespmem:s21], [sflag:$0x1] =	stream.indirect_vreg.gather [hbm4b:s2+s3], $0x80, v3, vm0, $0xb8;
	[tilespmem:$0x18180] =	vst v63  }
0xfe: {  	v3 =	vld [tilespmem:$0x140];
	_ =	sdelay $0x4  }
0xff: {  	v60 =	vshll.u32 v3, $0x1  }
0x100: {  	v3 =	vand.u32 $0x7, v3;
	v4 =	vand.u32 $0xFFFFFFF0, v60  }
0x101: {  	v3 =	vor.u32 v3, v4  }
0x102: {  	v4 =	vperm.xlane v3, v0;
	_ =	sdelay $0x1  }
0x103: {  	v3 =	vperm.xlane v3, v2;
	v4 =	vadd.s32 v1, v4;
	_ =	sdelay $0x1  }
0x104: {  	v3 =	vadd.s32 v1, v3;
	_ =	sdelay $0x2  }
0x105: {  	[tilespmem:s22], [sflag:$0x1] =	stream.indirect_vreg.gather [hbm4b:s2+s3], $0x80, v4, vm0, $0xb8;
	[tilespmem:$0x18180] =	vst v63  }
0x106: {  	_ = 	snop  }
0x107: {  	[tilespmem:s23], [sflag:$0x1] =	stream.indirect_vreg.gather [hbm4b:s2+s3], $0x80, v3, vm0, $0xb8;
	[tilespmem:$0x18180] =	vst v63  }
0x108: {  	v3 =	vld [tilespmem:$0x150];
	_ =	sdelay $0x4  }
0x109: {  	v61 =	vshll.u32 v3, $0x1  }
0x10a: {  	v3 =	vand.u32 $0x7, v3;
	v4 =	vand.u32 $0xFFFFFFF0, v61  }
0x10b: {  	v3 =	vor.u32 v3, v4  }
0x10c: {  	v4 =	vperm.xlane v3, v0;
	_ =	sdelay $0x1  }
0x10d: {  	v3 =	vperm.xlane v3, v2;
	v4 =	vadd.s32 v1, v4;
	_ =	sdelay $0x1  }
0x10e: {  	v3 =	vadd.s32 v1, v3;
	_ =	sdelay $0x2  }
0x10f: {  	[tilespmem:s24], [sflag:$0x1] =	stream.indirect_vreg.gather [hbm4b:s2+s3], $0x80, v4, vm0, $0xb8;
	[tilespmem:$0x18180] =	vst v63  }
0x110: {  	_ = 	snop  }
0x111: {  	[tilespmem:s25], [sflag:$0x1] =	stream.indirect_vreg.gather [hbm4b:s2+s3], $0x80, v3, vm0, $0xb8;
	[tilespmem:$0x18180] =	vst v63  }
0x112: {  	v3 =	vld [tilespmem:$0x160];
	_ =	sdelay $0x4  }
0x113: {  	v62 =	vshll.u32 v3, $0x1  }
0x114: {  	v3 =	vand.u32 $0x7, v3;
	v4 =	vand.u32 $0xFFFFFFF0, v62  }
0x115: {  	v3 =	vor.u32 v3, v4  }
0x116: {  	v4 =	vperm.xlane v3, v0;
	_ =	sdelay $0x1  }
0x117: {  	v3 =	vperm.xlane v3, v2;
	v4 =	vadd.s32 v1, v4;
	_ =	sdelay $0x1  }
0x118: {  	v3 =	vadd.s32 v1, v3;
	_ =	sdelay $0x2  }
0x119: {  	[tilespmem:s26], [sflag:$0x1] =	stream.indirect_vreg.gather [hbm4b:s2+s3], $0x80, v4, vm0, $0xb8;
	[tilespmem:$0x18180] =	vst v63  }
0x11a: {  	_ = 	snop  }
0x11b: {  	[tilespmem:s28], [sflag:$0x1] =	stream.indirect_vreg.gather [hbm4b:s2+s3], $0x80, v3, vm0, $0xb8;
	[tilespmem:$0x18180] =	vst v63  }
0x11c: {  	v3 =	vld [tilespmem:$0x170];
	_ =	sdelay $0x4  }
0x11d: {  	v63 =	vshll.u32 v3, $0x1  }
0x11e: {  	v3 =	vand.u32 $0x7, v3;
	v4 =	vand.u32 $0xFFFFFFF0, v63  }
0x11f: {  	v3 =	vor.u32 v3, v4  }
0x120: {  	v4 =	vperm.xlane v3, v0;
	_ =	sdelay $0x1  }
0x121: {  	v3 =	vperm.xlane v3, v2;
	v4 =	vadd.s32 v1, v4;
	_ =	sdelay $0x1  }
0x122: {  	v3 =	vadd.s32 v1, v3;
	_ =	sdelay $0x2  }
0x123: {  	[tilespmem:s29], [sflag:$0x1] =	stream.indirect_vreg.gather [hbm4b:s2+s3], $0x80, v4, vm0, $0xb8;
	[tilespmem:$0x18180] =	vst v63  }
0x124: {  	_ = 	snop  }
0x125: {  	[tilespmem:s30], [sflag:$0x1] =	stream.indirect_vreg.gather [hbm4b:s2+s3], $0x80, v3, vm0, $0xb8;
	[tilespmem:$0x18180] =	vst v63  }
0x126: {  	_ =	swait.ge [sflag:s31], $0x18000  }
0x127: {  	p0 =	sne.s32 s4, $0x1;
	[sflag:s31] =	ssyncset.done $0x0  }
.Ltmp0:
0x128: {  	s7 =	rddreg [dreg:$0x4];
	[sflag:s31] =	ssyncadd.s32 $0xFFFE8000;
	(pc) =	sbr.rel @p0 .LBB2_1-.Ltmp0, $4  }
0x129: {  	[hbm4b:s7+s3] =	stream.linear.scatter [tilespmem:s6], [sflag:$0x2], $0x18000, $0x38;
	[tilespmem:$0x18180] =	vst v63  }
0x12a: {  	_ =	swait.ge [sflag:s1], $0x18000  }
0x12b: {  	[sflag:s1] =	ssyncset.done $0x0  }
0x12c: {  	s4 =	sadd.s32 $0xFFFFFFFF, s4;
	[sflag:s1] =	ssyncadd.s32 $0xFFFE8000  }
0x12d: {  	_ =	sfence.sel $0x180000  }
0x12e: {  	[bflag:$0x0] =	sbarrier.arrive $0xFFFF  }
0x12f: {  	_ =	strace $0x9000004A  }
0x130: {  	s0 =	stileid.u32;
	[bflag:$0x2] =	sbarrier.arrive $0xFFFF  }
0x131: {  	p0 =	sne.s32 s0, $0x0;
	s0 =	rddreg [dreg:$0x2]  }
0x132: {  	s0 =	sadd.s32 @!p0 $0x100000, s0  }
0x133: {  	[sflag:s0] =	ssyncadd.tile.s32 @!p0 $0x1;
	_ =	shalt  }
.Lfunc_end2:
_tile_overlayer_lowered:
.L_overlay_start_2:
0x134: {  	(tag) =	ssettag $0x2  }
0x135: {  	s0 =	rddreg [dreg:$0x0];
	s2 =	stileid.u32  }
0x136: {  	s1 =	rddreg [dreg:$0x1];
	p0 =	sne.s32 s2, $0x0  }
0x137: {  	s3 =	rddreg [dreg:$0x2];
	[bflag:$0x3] =	sbarrier.arrive $0xFFFF;
	s2 =	simm.s32 @!p0 $0x1C03  }
0x138: {  	[timem:s3], [sflag:s2] =	dma.local @!p0 [hbm:s0], s1  }
0x139: {  	s0 =	simm.s32 @!p0 $0x3  }
0x13a: {  	_ =	swait.ge @!p0 [sflag:s0], s1  }
0x13b: {  	s1 =	ssub.s32 @!p0 $0x0, s1;
	[sflag:s0] =	ssyncset.done @!p0 $0x0  }
0x13c: {  	[sflag:s0] =	ssyncadd.s32 @!p0 s1  }
0x13d: {  	[bflag:$0x3] =	sbarrier.arrive $0xFFFF  }
0x13e: {  	_ =	shalt  }

</sc_bundles>
